<compile_context>
chip_gen: v7x
topology: tpu7x:2x2x1
jax: 0.10.2.dev20260603
libtpu: 0.0.44.dev20260713+nightly
codegen_flags: <defaults>
</compile_context>

<pallas_src>
import functools

import jax
import jax.numpy as jnp
from jax import lax
from jax.experimental import pallas as pl
from jax.experimental.pallas import tpu as pltpu
from jax.experimental.pallas import tpu_sc as plsc

BATCH = 4096
HIDDEN = 64
BASKET = 20
NW = 32
BPW = BATCH // NW
CHUNK = 32
GROWS = CHUNK * BASKET
NGD = GROWS // 128
TB = 512
LTB = 9


G = 16


def _tp_body(a_ref, o_ref):
    for g in range(G):
        ta = a_ref[:, g * 2 * TB:g * 2 * TB + TB].T
        tb = a_ref[:, g * 2 * TB + TB:(g + 1) * 2 * TB].T
        o_ref[g * TB:(g + 1) * TB, :] = jnp.concatenate([ta, tb], axis=1)


def _transpose_pack(table_t, n_items):
    nblk = -(-n_items // (2 * TB * G))
    return pl.pallas_call(
        _tp_body,
        grid=(nblk,),
        in_specs=[pl.BlockSpec((HIDDEN, 2 * TB * G), lambda c: (0, c))],
        out_specs=pl.BlockSpec((TB * G, 2 * HIDDEN), lambda c: (c, 0)),
        out_shape=jax.ShapeDtypeStruct((nblk * TB * G, 2 * HIDDEN),
                                       jnp.float32),
    )(table_t)


def _remap(idx16):
    row = ((idx16 >> (LTB + 1)) << LTB) + (idx16 & (TB - 1))
    col = ((idx16 >> LTB) & 1) << 6
    return row, col


def _sc_body(sidx_hbm, u_hbm, a_hbm, item_hbm, usr_hbm, q_out, k_out,
             sidx_v, skidx_v, scol_v, uidx_v, ucol_v, aidx_v, acol_v,
             rows_v, urows_v, arows_v, q_v, k_v, gsem, usem, asem):
    wid = lax.axis_index("s") * 2 + lax.axis_index("c")

    def chunk_body(c, carry):
        base = wid * BPW + c * CHUNK
        pltpu.sync_copy(sidx_hbm.at[pl.ds(base * BASKET, GROWS)], sidx_v)
        pltpu.sync_copy(u_hbm.at[pl.ds(base, CHUNK)], uidx_v)
        pltpu.sync_copy(a_hbm.at[pl.ds(base, CHUNK)], aidx_v)

        def smap_body(t, carry2):
            sl = pl.ds(t * 16, 16)
            row, col = _remap(sidx_v[sl])
            skidx_v[sl] = row
            scol_v[sl] = col
            return carry2

        lax.fori_loop(0, GROWS // 16, smap_body, 0)
        for t in range(CHUNK // 16):
            sl = pl.ds(t * 16, 16)
            urow, ucol = _remap(uidx_v[sl])
            uidx_v[sl] = urow
            ucol_v[sl] = ucol
            arow, acol = _remap(aidx_v[sl])
            aidx_v[sl] = arow
            acol_v[sl] = acol

        cps = []
        for r in range(NGD):
            cps.append(pltpu.async_copy(
                item_hbm.at[skidx_v.at[pl.ds(r * 128, 128)]],
                rows_v.at[pl.ds(r * 128, 128)], gsem))
        cu = pltpu.async_copy(usr_hbm.at[uidx_v], urows_v, usem)
        ca = pltpu.async_copy(item_hbm.at[aidx_v], arows_v, asem)
        for cp in cps:
            cp.wait()
        cu.wait()
        ca.wait()

        def row_body(b, carry2):
            ucol = ucol_v[pl.ds(b, 16)][0]
            acol = acol_v[pl.ds(b, 16)][0]
            c0 = scol_v[pl.ds(b * BASKET, 16)]
            c1 = scol_v[pl.ds(b * BASKET + 16, 16)]
            cols = [c0[j] if j < 16 else c1[j - 16] for j in range(BASKET)]
            for hs in range(HIDDEN // 16):
                h = hs * 16
                acc = urows_v[b, pl.ds(ucol + h, 16)]
                for j in range(BASKET):
                    acc = acc + rows_v[b * BASKET + j, pl.ds(cols[j] + h, 16)]
                q_v[b, pl.ds(h, 16)] = acc
                k_v[b, pl.ds(h, 16)] = arows_v[b, pl.ds(acol + h, 16)]
            return carry2

        lax.fori_loop(0, CHUNK, row_body, 0)
        pltpu.sync_copy(q_v, q_out.at[pl.ds(base, CHUNK)])
        pltpu.sync_copy(k_v, k_out.at[pl.ds(base, CHUNK)])
        return carry

    lax.fori_loop(0, BPW // CHUNK, chunk_body, 0)


_N_ITEM_ROWS = (-(-1000000 // (2 * TB))) * TB
_N_USR_ROWS = (-(-100000 // (2 * TB))) * TB

_sc_embed = functools.partial(
    pl.kernel,
    out_type=(
        jax.ShapeDtypeStruct((BATCH, HIDDEN), jnp.float32),
        jax.ShapeDtypeStruct((BATCH, HIDDEN), jnp.float32),
    ),
    mesh=plsc.VectorSubcoreMesh(core_axis_name="c", subcore_axis_name="s"),
    compiler_params=pltpu.CompilerParams(use_tc_tiling_on_sc=False),
    scratch_types=[
        pltpu.VMEM((GROWS,), jnp.int32),
        pltpu.VMEM((GROWS,), jnp.int32),
        pltpu.VMEM((GROWS + 16,), jnp.int32),
        pltpu.VMEM((CHUNK,), jnp.int32),
        pltpu.VMEM((CHUNK + 16,), jnp.int32),
        pltpu.VMEM((CHUNK,), jnp.int32),
        pltpu.VMEM((CHUNK + 16,), jnp.int32),
        pltpu.VMEM((GROWS, 2 * HIDDEN), jnp.float32),
        pltpu.VMEM((CHUNK, 2 * HIDDEN), jnp.float32),
        pltpu.VMEM((CHUNK, 2 * HIDDEN), jnp.float32),
        pltpu.VMEM((CHUNK, HIDDEN), jnp.float32),
        pltpu.VMEM((CHUNK, HIDDEN), jnp.float32),
        pltpu.SemaphoreType.DMA,
        pltpu.SemaphoreType.DMA,
        pltpu.SemaphoreType.DMA,
    ],
)(_sc_body)


def _mm_body(q_ref, k_ref, o_ref):
    o_ref[...] = lax.dot_general(
        q_ref[...], k_ref[...],
        dimension_numbers=(((1,), (1,)), ((), ())),
        preferred_element_type=jnp.float32)


def _logits(q, k):
    bm, bn = 1024, 2048
    return pl.pallas_call(
        _mm_body,
        grid=(BATCH // bm, BATCH // bn),
        in_specs=[
            pl.BlockSpec((bm, HIDDEN), lambda i, j: (i, 0)),
            pl.BlockSpec((bn, HIDDEN), lambda i, j: (j, 0)),
        ],
        out_specs=pl.BlockSpec((bm, bn), lambda i, j: (i, j)),
        out_shape=jax.ShapeDtypeStruct((BATCH, BATCH), jnp.float32),
    )(q, k)


def kernel(U, S, A, B, item_embedding, usr_embedding):
    del B
    item_t = _transpose_pack(item_embedding.T, 1000000)
    usr_t = _transpose_pack(usr_embedding.T, 100000)
    s_last = S[:, -1, :].astype(jnp.int32).reshape(BATCH * BASKET)
    q, k = _sc_embed(s_last, U.astype(jnp.int32), A.astype(jnp.int32),
                     item_t, usr_t)
    return _logits(q, k)

# --- scband reference (transcript-rebuilt; emitter-appended) ---
"""Pipeline reference for scband-basket-abamodel-13185549598855 (READ-ONLY COPY).

The authoritative reference and input builder live on the scoring server;
editing this copy changes nothing except your own understanding.
"""

import jax, jax.numpy as jnp
import numpy as np

ITEM_NUM = 1000000
USER_NUM = 100000
HIDDEN = 64
BATCH = 4096
T_HIST = 50
BASKET = 20


def setup_inputs(seed: int = 0) -> dict:
    key = jax.random.key(seed)
    k1, k2, k3, k4, k5, k6 = jax.random.split(key, 6)
    U = jax.random.randint(k1, (BATCH,), 0, USER_NUM, dtype=jnp.int64 if jax.config.jax_enable_x64 else jnp.int32)
    S = jax.random.randint(k2, (BATCH, T_HIST, BASKET), 0, ITEM_NUM, dtype=jnp.int64 if jax.config.jax_enable_x64 else jnp.int32)
    A = jax.random.randint(k3, (BATCH,), 0, ITEM_NUM, dtype=jnp.int64 if jax.config.jax_enable_x64 else jnp.int32)
    B = jax.random.randint(k4, (BATCH,), 0, ITEM_NUM, dtype=jnp.int64 if jax.config.jax_enable_x64 else jnp.int32)
    item_embedding = jax.random.normal(k5, (ITEM_NUM, HIDDEN), dtype=jnp.float32) * 0.02
    usr_embedding = jax.random.normal(k6, (USER_NUM, HIDDEN), dtype=jnp.float32) * 0.02
    return {"U": U, "S": S, "A": A, "B": B, "item_embedding": item_embedding, "usr_embedding": usr_embedding}


def reference(U, S, A, B, item_embedding, usr_embedding):
    # BasketTrans: take the last basket of each sequence, embed, sum over basket dim
    S_last = S[:, -1, :]                              # [B, basket]
    basket_emb = jnp.take(item_embedding, S_last, axis=0)  # [B, basket, H]
    seq_emb = jnp.sum(basket_emb, axis=1)             # [B, H]
    usr_emb = jnp.take(usr_embedding, U, axis=0)      # [B, H]
    itemA_emb = jnp.take(item_embedding, A, axis=0)   # [B, H]
    # B embeddings are looked up in the torch model but unused in the returned logit
    logit = jnp.matmul(usr_emb + seq_emb, itemA_emb.T)  # [B, B] in-batch logits
    return logit

if __name__ == "__main__":
    import jax
    _d = setup_inputs()
    print(jax.jit(kernel)(*tuple(_d.values())))

</pallas_src>

<mosaic_0001>
#map = affine_map<(d0, d1) -> (0)>
#map1 = affine_map<(d0, d1) -> (0, 0)>
module attributes {stable_mosaic.version = 14 : i64} {
  func.func @_sc_body(%arg0: i32, %arg1: i32, %arg2: memref<81920xi32, #tpu.memory_space<hbm>>, %arg3: memref<4096xi32, #tpu.memory_space<hbm>>, %arg4: memref<4096xi32, #tpu.memory_space<hbm>>, %arg5: memref<507904x128xf32, #tpu.memory_space<hbm>>, %arg6: memref<57344x128xf32, #tpu.memory_space<hbm>>, %arg7: memref<4096x64xf32, #tpu.memory_space<hbm>>, %arg8: memref<4096x64xf32, #tpu.memory_space<hbm>>, %arg9: memref<640xi32, #tpu.memory_space<vmem>>, %arg10: memref<640xi32, #tpu.memory_space<vmem>>, %arg11: memref<656xi32, #tpu.memory_space<vmem>>, %arg12: memref<32xi32, #tpu.memory_space<vmem>>, %arg13: memref<48xi32, #tpu.memory_space<vmem>>, %arg14: memref<32xi32, #tpu.memory_space<vmem>>, %arg15: memref<48xi32, #tpu.memory_space<vmem>>, %arg16: memref<640x128xf32, #tpu.memory_space<vmem>>, %arg17: memref<32x128xf32, #tpu.memory_space<vmem>>, %arg18: memref<32x128xf32, #tpu.memory_space<vmem>>, %arg19: memref<32x64xf32, #tpu.memory_space<vmem>>, %arg20: memref<32x64xf32, #tpu.memory_space<vmem>>, %arg21: memref<!tpu.dma_semaphore, #tpu.memory_space<semaphore_mem>>, %arg22: memref<!tpu.dma_semaphore, #tpu.memory_space<semaphore_mem>>, %arg23: memref<!tpu.dma_semaphore, #tpu.memory_space<semaphore_mem>>) attributes {dimension_semantics = [#tpu.dimension_semantics<core_parallel>, #tpu.dimension_semantics<subcore_parallel>], iteration_bounds = array<i64: 2, 16>, scalar_prefetch = 0 : i64, scratch_operands = 15 : i64, tpu.core_type = #tpu.core_type<sc_vector_subcore>, window_params = [{transform_indices = #map}, {transform_indices = #map}, {transform_indices = #map}, {transform_indices = #map1}, {transform_indices = #map1}, {transform_indices = #map1}, {transform_indices = #map1}]} {
    %mul3A = arith.constant 2 : i32
    %mul3A_0 = arith.muli %arg1, %mul3A : i32
    %add3A = arith.addi %mul3A_0, %arg0 : i32
    %scan3A = arith.constant 0 : i32
    %scan3A_1 = arith.constant 0 : i32
    %scan3A_2 = arith.constant 4 : i32
    %scan3A_3 = arith.addi %scan3A_1, %scan3A_2 : i32
    %scan3A_4 = arith.constant 1 : i32
    scf.for %scan3A_6 = %scan3A_1 to %scan3A_3 step %scan3A_4  : i32 {
      %mul3A_7 = arith.constant 128 : i32
      %mul3A_8 = arith.muli %add3A, %mul3A_7 : i32
      %mul3A_9 = arith.constant 32 : i32
      %mul3A_10 = arith.muli %scan3A_6, %mul3A_9 : i32
      %add3A_11 = arith.addi %mul3A_8, %mul3A_10 : i32
      %mul3A_12 = arith.constant 20 : i32
      %mul3A_13 = arith.muli %add3A_11, %mul3A_12 : i32
      "tpu.region"() ({
        %run_scoped3A = tpu.sem_alloc : memref<!tpu.dma_semaphore, #tpu.memory_space<semaphore_mem>>
        %dma_start3A_231 = tpu.memref_slice %arg2[%mul3A_13] : memref<81920xi32, #tpu.memory_space<hbm>> -> memref<640xi32, #tpu.memory_space<hbm>>
        %dma_start3A_232 = tpu.memref_slice %arg2[%mul3A_13] : memref<81920xi32, #tpu.memory_space<hbm>> -> memref<640xi32, #tpu.memory_space<hbm>>
        tpu.enqueue_dma source(%dma_start3A_232 : memref<640xi32, #tpu.memory_space<hbm>>) target(%arg9 : memref<640xi32, #tpu.memory_space<vmem>>) target_semaphore(%run_scoped3A : memref<!tpu.dma_semaphore, #tpu.memory_space<semaphore_mem>>)
        %dma_wait3A_233 = tpu.memref_slice %arg2[%mul3A_13] : memref<81920xi32, #tpu.memory_space<hbm>> -> memref<640xi32, #tpu.memory_space<hbm>>
        %dma_wait3A_234 = tpu.memref_slice %arg2[%mul3A_13] : memref<81920xi32, #tpu.memory_space<hbm>> -> memref<640xi32, #tpu.memory_space<hbm>>
        tpu.wait_dma2 semaphore(%run_scoped3A : memref<!tpu.dma_semaphore, #tpu.memory_space<semaphore_mem>>) src(%dma_wait3A_234 : memref<640xi32, #tpu.memory_space<hbm>>) dst(%arg9 : memref<640xi32, #tpu.memory_space<vmem>>)
        tpu.yield
      }) : () -> ()
      "tpu.region"() ({
        %run_scoped3A = tpu.sem_alloc : memref<!tpu.dma_semaphore, #tpu.memory_space<semaphore_mem>>
        %dma_start3A_231 = tpu.memref_slice %arg3[%add3A_11] : memref<4096xi32, #tpu.memory_space<hbm>> -> memref<32xi32, #tpu.memory_space<hbm>>
        %dma_start3A_232 = tpu.memref_slice %arg3[%add3A_11] : memref<4096xi32, #tpu.memory_space<hbm>> -> memref<32xi32, #tpu.memory_space<hbm>>
        tpu.enqueue_dma source(%dma_start3A_232 : memref<32xi32, #tpu.memory_space<hbm>>) target(%arg12 : memref<32xi32, #tpu.memory_space<vmem>>) target_semaphore(%run_scoped3A : memref<!tpu.dma_semaphore, #tpu.memory_space<semaphore_mem>>)
        %dma_wait3A_233 = tpu.memref_slice %arg3[%add3A_11] : memref<4096xi32, #tpu.memory_space<hbm>> -> memref<32xi32, #tpu.memory_space<hbm>>
        %dma_wait3A_234 = tpu.memref_slice %arg3[%add3A_11] : memref<4096xi32, #tpu.memory_space<hbm>> -> memref<32xi32, #tpu.memory_space<hbm>>
        tpu.wait_dma2 semaphore(%run_scoped3A : memref<!tpu.dma_semaphore, #tpu.memory_space<semaphore_mem>>) src(%dma_wait3A_234 : memref<32xi32, #tpu.memory_space<hbm>>) dst(%arg12 : memref<32xi32, #tpu.memory_space<vmem>>)
        tpu.yield
      }) : () -> ()
      "tpu.region"() ({
        %run_scoped3A = tpu.sem_alloc : memref<!tpu.dma_semaphore, #tpu.memory_space<semaphore_mem>>
        %dma_start3A_231 = tpu.memref_slice %arg4[%add3A_11] : memref<4096xi32, #tpu.memory_space<hbm>> -> memref<32xi32, #tpu.memory_space<hbm>>
        %dma_start3A_232 = tpu.memref_slice %arg4[%add3A_11] : memref<4096xi32, #tpu.memory_space<hbm>> -> memref<32xi32, #tpu.memory_space<hbm>>
        tpu.enqueue_dma source(%dma_start3A_232 : memref<32xi32, #tpu.memory_space<hbm>>) target(%arg14 : memref<32xi32, #tpu.memory_space<vmem>>) target_semaphore(%run_scoped3A : memref<!tpu.dma_semaphore, #tpu.memory_space<semaphore_mem>>)
        %dma_wait3A_233 = tpu.memref_slice %arg4[%add3A_11] : memref<4096xi32, #tpu.memory_space<hbm>> -> memref<32xi32, #tpu.memory_space<hbm>>
        %dma_wait3A_234 = tpu.memref_slice %arg4[%add3A_11] : memref<4096xi32, #tpu.memory_space<hbm>> -> memref<32xi32, #tpu.memory_space<hbm>>
        tpu.wait_dma2 semaphore(%run_scoped3A : memref<!tpu.dma_semaphore, #tpu.memory_space<semaphore_mem>>) src(%dma_wait3A_234 : memref<32xi32, #tpu.memory_space<hbm>>) dst(%arg14 : memref<32xi32, #tpu.memory_space<vmem>>)
        tpu.yield
      }) : () -> ()
      %scan3A_14 = arith.constant 0 : i32
      %scan3A_15 = arith.constant 0 : i32
      %scan3A_16 = arith.constant 40 : i32
      %scan3A_17 = arith.addi %scan3A_15, %scan3A_16 : i32
      %scan3A_18 = arith.constant 1 : i32
      scf.for %scan3A_231 = %scan3A_15 to %scan3A_17 step %scan3A_18  : i32 {
        %mul3A_232 = arith.constant 16 : i32
        %mul3A_233 = arith.muli %scan3A_231, %mul3A_232 : i32
        %get3A_234 = arith.index_cast %mul3A_233 : i32 to index
        %get3A_235 = tpu.vector_load %arg9[%get3A_234] {strides = array<i32>} : memref<640xi32, #tpu.memory_space<vmem>>, vector<16xi32>,
        %get3A_236 = vector.shape_cast %get3A_235 : vector<16xi32> to vector<16xi32>
        %shift_right_arithmetic3A_237 = arith.constant 10 : i32
        %shift_right_arithmetic3A_238 = vector.broadcast %shift_right_arithmetic3A_237 : i32 to vector<16xi32>
        %shift_right_arithmetic3A_239 = arith.shrsi %get3A_236, %shift_right_arithmetic3A_238 : vector<16xi32>
        %shift_left3A_240 = arith.constant 9 : i32
        %shift_left3A_241 = vector.broadcast %shift_left3A_240 : i32 to vector<16xi32>
        %shift_left3A_242 = arith.shli %shift_right_arithmetic3A_239, %shift_left3A_241 : vector<16xi32>
        %and3A_243 = arith.constant 511 : i32
        %and3A_244 = vector.broadcast %and3A_243 : i32 to vector<16xi32>
        %and3A_245 = arith.andi %get3A_236, %and3A_244 : vector<16xi32>
        %add3A_246 = arith.addi %shift_left3A_242, %and3A_245 : vector<16xi32>
        %shift_right_arithmetic3A_247 = arith.constant 9 : i32
        %shift_right_arithmetic3A_248 = vector.broadcast %shift_right_arithmetic3A_247 : i32 to vector<16xi32>
        %shift_right_arithmetic3A_249 = arith.shrsi %get3A_236, %shift_right_arithmetic3A_248 : vector<16xi32>
        %and3A_250 = arith.constant 1 : i32
        %and3A_251 = vector.broadcast %and3A_250 : i32 to vector<16xi32>
        %and3A_252 = arith.andi %shift_right_arithmetic3A_249, %and3A_251 : vector<16xi32>
        %shift_left3A_253 = arith.constant 6 : i32
        %shift_left3A_254 = vector.broadcast %shift_left3A_253 : i32 to vector<16xi32>
        %shift_left3A_255 = arith.shli %and3A_252, %shift_left3A_254 : vector<16xi32>
        %swap3A_256 = arith.index_cast %mul3A_233 : i32 to index
        %swap3A_257 = tpu.vector_load %arg10[%swap3A_256] {strides = array<i32>} : memref<640xi32, #tpu.memory_space<vmem>>, vector<16xi32>,
        %swap3A_258 = vector.shape_cast %swap3A_257 : vector<16xi32> to vector<16xi32>
        %swap3A_259 = vector.shape_cast %add3A_246 : vector<16xi32> to vector<16xi32>
        tpu.vector_store %arg10[%swap3A_256], %swap3A_259 {strides = array<i32>} : memref<640xi32, #tpu.memory_space<vmem>>, vector<16xi32>,
        %swap3A_260 = arith.index_cast %mul3A_233 : i32 to index
        %swap3A_261 = tpu.vector_load %arg11[%swap3A_260] {strides = array<i32>} : memref<656xi32, #tpu.memory_space<vmem>>, vector<16xi32>,
        %swap3A_262 = vector.shape_cast %swap3A_261 : vector<16xi32> to vector<16xi32>
        %swap3A_263 = vector.shape_cast %shift_left3A_255 : vector<16xi32> to vector<16xi32>
        tpu.vector_store %arg11[%swap3A_260], %swap3A_263 {strides = array<i32>} : memref<656xi32, #tpu.memory_space<vmem>>, vector<16xi32>,
      }
      %scan3A_19 = arith.constant 40 : i32
      %get3A = arith.constant 0 : index
      %get3A_20 = tpu.vector_load %arg12[%get3A] {strides = array<i32>} : memref<32xi32, #tpu.memory_space<vmem>>, vector<16xi32>,
      %get3A_21 = vector.shape_cast %get3A_20 : vector<16xi32> to vector<16xi32>
      %shift_right_arithmetic3A = arith.constant 10 : i32
      %shift_right_arithmetic3A_22 = vector.broadcast %shift_right_arithmetic3A : i32 to vector<16xi32>
      %shift_right_arithmetic3A_23 = arith.shrsi %get3A_21, %shift_right_arithmetic3A_22 : vector<16xi32>
      %shift_left3A = arith.constant 9 : i32
      %shift_left3A_24 = vector.broadcast %shift_left3A : i32 to vector<16xi32>
      %shift_left3A_25 = arith.shli %shift_right_arithmetic3A_23, %shift_left3A_24 : vector<16xi32>
      %and3A = arith.constant 511 : i32
      %and3A_26 = vector.broadcast %and3A : i32 to vector<16xi32>
      %and3A_27 = arith.andi %get3A_21, %and3A_26 : vector<16xi32>
      %add3A_28 = arith.addi %shift_left3A_25, %and3A_27 : vector<16xi32>
      %shift_right_arithmetic3A_29 = arith.constant 9 : i32
      %shift_right_arithmetic3A_30 = vector.broadcast %shift_right_arithmetic3A_29 : i32 to vector<16xi32>
      %shift_right_arithmetic3A_31 = arith.shrsi %get3A_21, %shift_right_arithmetic3A_30 : vector<16xi32>
      %and3A_32 = arith.constant 1 : i32
      %and3A_33 = vector.broadcast %and3A_32 : i32 to vector<16xi32>
      %and3A_34 = arith.andi %shift_right_arithmetic3A_31, %and3A_33 : vector<16xi32>
      %shift_left3A_35 = arith.constant 6 : i32
      %shift_left3A_36 = vector.broadcast %shift_left3A_35 : i32 to vector<16xi32>
      %shift_left3A_37 = arith.shli %and3A_34, %shift_left3A_36 : vector<16xi32>
      %swap3A = arith.constant 0 : index
      %swap3A_38 = tpu.vector_load %arg12[%swap3A] {strides = array<i32>} : memref<32xi32, #tpu.memory_space<vmem>>, vector<16xi32>,
      %swap3A_39 = vector.shape_cast %swap3A_38 : vector<16xi32> to vector<16xi32>
      %swap3A_40 = vector.shape_cast %add3A_28 : vector<16xi32> to vector<16xi32>
      tpu.vector_store %arg12[%swap3A], %swap3A_40 {strides = array<i32>} : memref<32xi32, #tpu.memory_space<vmem>>, vector<16xi32>,
      %swap3A_41 = arith.constant 0 : index
      %swap3A_42 = tpu.vector_load %arg13[%swap3A_41] {strides = array<i32>} : memref<48xi32, #tpu.memory_space<vmem>>, vector<16xi32>,
      %swap3A_43 = vector.shape_cast %swap3A_42 : vector<16xi32> to vector<16xi32>
      %swap3A_44 = vector.shape_cast %shift_left3A_37 : vector<16xi32> to vector<16xi32>
      tpu.vector_store %arg13[%swap3A_41], %swap3A_44 {strides = array<i32>} : memref<48xi32, #tpu.memory_space<vmem>>, vector<16xi32>,
      %get3A_45 = arith.constant 0 : index
      %get3A_46 = tpu.vector_load %arg14[%get3A_45] {strides = array<i32>} : memref<32xi32, #tpu.memory_space<vmem>>, vector<16xi32>,
      %get3A_47 = vector.shape_cast %get3A_46 : vector<16xi32> to vector<16xi32>
      %shift_right_arithmetic3A_48 = arith.constant 10 : i32
      %shift_right_arithmetic3A_49 = vector.broadcast %shift_right_arithmetic3A_48 : i32 to vector<16xi32>
      %shift_right_arithmetic3A_50 = arith.shrsi %get3A_47, %shift_right_arithmetic3A_49 : vector<16xi32>
      %shift_left3A_51 = arith.constant 9 : i32
      %shift_left3A_52 = vector.broadcast %shift_left3A_51 : i32 to vector<16xi32>
      %shift_left3A_53 = arith.shli %shift_right_arithmetic3A_50, %shift_left3A_52 : vector<16xi32>
      %and3A_54 = arith.constant 511 : i32
      %and3A_55 = vector.broadcast %and3A_54 : i32 to vector<16xi32>
      %and3A_56 = arith.andi %get3A_47, %and3A_55 : vector<16xi32>
      %add3A_57 = arith.addi %shift_left3A_53, %and3A_56 : vector<16xi32>
      %shift_right_arithmetic3A_58 = arith.constant 9 : i32
      %shift_right_arithmetic3A_59 = vector.broadcast %shift_right_arithmetic3A_58 : i32 to vector<16xi32>
      %shift_right_arithmetic3A_60 = arith.shrsi %get3A_47, %shift_right_arithmetic3A_59 : vector<16xi32>
      %and3A_61 = arith.constant 1 : i32
      %and3A_62 = vector.broadcast %and3A_61 : i32 to vector<16xi32>
      %and3A_63 = arith.andi %shift_right_arithmetic3A_60, %and3A_62 : vector<16xi32>
      %shift_left3A_64 = arith.constant 6 : i32
      %shift_left3A_65 = vector.broadcast %shift_left3A_64 : i32 to vector<16xi32>
      %shift_left3A_66 = arith.shli %and3A_63, %shift_left3A_65 : vector<16xi32>
      %swap3A_67 = arith.constant 0 : index
      %swap3A_68 = tpu.vector_load %arg14[%swap3A_67] {strides = array<i32>} : memref<32xi32, #tpu.memory_space<vmem>>, vector<16xi32>,
      %swap3A_69 = vector.shape_cast %swap3A_68 : vector<16xi32> to vector<16xi32>
      %swap3A_70 = vector.shape_cast %add3A_57 : vector<16xi32> to vector<16xi32>
      tpu.vector_store %arg14[%swap3A_67], %swap3A_70 {strides = array<i32>} : memref<32xi32, #tpu.memory_space<vmem>>, vector<16xi32>,
      %swap3A_71 = arith.constant 0 : index
      %swap3A_72 = tpu.vector_load %arg15[%swap3A_71] {strides = array<i32>} : memref<48xi32, #tpu.memory_space<vmem>>, vector<16xi32>,
      %swap3A_73 = vector.shape_cast %swap3A_72 : vector<16xi32> to vector<16xi32>
      %swap3A_74 = vector.shape_cast %shift_left3A_66 : vector<16xi32> to vector<16xi32>
      tpu.vector_store %arg15[%swap3A_71], %swap3A_74 {strides = array<i32>} : memref<48xi32, #tpu.memory_space<vmem>>, vector<16xi32>,
      %get3A_75 = arith.constant 16 : index
      %get3A_76 = tpu.vector_load %arg12[%get3A_75] {strides = array<i32>} : memref<32xi32, #tpu.memory_space<vmem>>, vector<16xi32>,
      %get3A_77 = vector.shape_cast %get3A_76 : vector<16xi32> to vector<16xi32>
      %shift_right_arithmetic3A_78 = arith.constant 10 : i32
      %shift_right_arithmetic3A_79 = vector.broadcast %shift_right_arithmetic3A_78 : i32 to vector<16xi32>
      %shift_right_arithmetic3A_80 = arith.shrsi %get3A_77, %shift_right_arithmetic3A_79 : vector<16xi32>
      %shift_left3A_81 = arith.constant 9 : i32
      %shift_left3A_82 = vector.broadcast %shift_left3A_81 : i32 to vector<16xi32>
      %shift_left3A_83 = arith.shli %shift_right_arithmetic3A_80, %shift_left3A_82 : vector<16xi32>
      %and3A_84 = arith.constant 511 : i32
      %and3A_85 = vector.broadcast %and3A_84 : i32 to vector<16xi32>
      %and3A_86 = arith.andi %get3A_77, %and3A_85 : vector<16xi32>
      %add3A_87 = arith.addi %shift_left3A_83, %and3A_86 : vector<16xi32>
      %shift_right_arithmetic3A_88 = arith.constant 9 : i32
      %shift_right_arithmetic3A_89 = vector.broadcast %shift_right_arithmetic3A_88 : i32 to vector<16xi32>
      %shift_right_arithmetic3A_90 = arith.shrsi %get3A_77, %shift_right_arithmetic3A_89 : vector<16xi32>
      %and3A_91 = arith.constant 1 : i32
      %and3A_92 = vector.broadcast %and3A_91 : i32 to vector<16xi32>
      %and3A_93 = arith.andi %shift_right_arithmetic3A_90, %and3A_92 : vector<16xi32>
      %shift_left3A_94 = arith.constant 6 : i32
      %shift_left3A_95 = vector.broadcast %shift_left3A_94 : i32 to vector<16xi32>
      %shift_left3A_96 = arith.shli %and3A_93, %shift_left3A_95 : vector<16xi32>
      %swap3A_97 = arith.constant 16 : index
      %swap3A_98 = tpu.vector_load %arg12[%swap3A_97] {strides = array<i32>} : memref<32xi32, #tpu.memory_space<vmem>>, vector<16xi32>,
      %swap3A_99 = vector.shape_cast %swap3A_98 : vector<16xi32> to vector<16xi32>
      %swap3A_100 = vector.shape_cast %add3A_87 : vector<16xi32> to vector<16xi32>
      tpu.vector_store %arg12[%swap3A_97], %swap3A_100 {strides = array<i32>} : memref<32xi32, #tpu.memory_space<vmem>>, vector<16xi32>,
      %swap3A_101 = arith.constant 16 : index
      %swap3A_102 = tpu.vector_load %arg13[%swap3A_101] {strides = array<i32>} : memref<48xi32, #tpu.memory_space<vmem>>, vector<16xi32>,
      %swap3A_103 = vector.shape_cast %swap3A_102 : vector<16xi32> to vector<16xi32>
      %swap3A_104 = vector.shape_cast %shift_left3A_96 : vector<16xi32> to vector<16xi32>
      tpu.vector_store %arg13[%swap3A_101], %swap3A_104 {strides = array<i32>} : memref<48xi32, #tpu.memory_space<vmem>>, vector<16xi32>,
      %get3A_105 = arith.constant 16 : index
      %get3A_106 = tpu.vector_load %arg14[%get3A_105] {strides = array<i32>} : memref<32xi32, #tpu.memory_space<vmem>>, vector<16xi32>,
      %get3A_107 = vector.shape_cast %get3A_106 : vector<16xi32> to vector<16xi32>
      %shift_right_arithmetic3A_108 = arith.constant 10 : i32
      %shift_right_arithmetic3A_109 = vector.broadcast %shift_right_arithmetic3A_108 : i32 to vector<16xi32>
      %shift_right_arithmetic3A_110 = arith.shrsi %get3A_107, %shift_right_arithmetic3A_109 : vector<16xi32>
      %shift_left3A_111 = arith.constant 9 : i32
      %shift_left3A_112 = vector.broadcast %shift_left3A_111 : i32 to vector<16xi32>
      %shift_left3A_113 = arith.shli %shift_right_arithmetic3A_110, %shift_left3A_112 : vector<16xi32>
      %and3A_114 = arith.constant 511 : i32
      %and3A_115 = vector.broadcast %and3A_114 : i32 to vector<16xi32>
      %and3A_116 = arith.andi %get3A_107, %and3A_115 : vector<16xi32>
      %add3A_117 = arith.addi %shift_left3A_113, %and3A_116 : vector<16xi32>
      %shift_right_arithmetic3A_118 = arith.constant 9 : i32
      %shift_right_arithmetic3A_119 = vector.broadcast %shift_right_arithmetic3A_118 : i32 to vector<16xi32>
      %shift_right_arithmetic3A_120 = arith.shrsi %get3A_107, %shift_right_arithmetic3A_119 : vector<16xi32>
      %and3A_121 = arith.constant 1 : i32
      %and3A_122 = vector.broadcast %and3A_121 : i32 to vector<16xi32>
      %and3A_123 = arith.andi %shift_right_arithmetic3A_120, %and3A_122 : vector<16xi32>
      %shift_left3A_124 = arith.constant 6 : i32
      %shift_left3A_125 = vector.broadcast %shift_left3A_124 : i32 to vector<16xi32>
      %shift_left3A_126 = arith.shli %and3A_123, %shift_left3A_125 : vector<16xi32>
      %swap3A_127 = arith.constant 16 : index
      %swap3A_128 = tpu.vector_load %arg14[%swap3A_127] {strides = array<i32>} : memref<32xi32, #tpu.memory_space<vmem>>, vector<16xi32>,
      %swap3A_129 = vector.shape_cast %swap3A_128 : vector<16xi32> to vector<16xi32>
      %swap3A_130 = vector.shape_cast %add3A_117 : vector<16xi32> to vector<16xi32>
      tpu.vector_store %arg14[%swap3A_127], %swap3A_130 {strides = array<i32>} : memref<32xi32, #tpu.memory_space<vmem>>, vector<16xi32>,
      %swap3A_131 = arith.constant 16 : index
      %swap3A_132 = tpu.vector_load %arg15[%swap3A_131] {strides = array<i32>} : memref<48xi32, #tpu.memory_space<vmem>>, vector<16xi32>,
      %swap3A_133 = vector.shape_cast %swap3A_132 : vector<16xi32> to vector<16xi32>
      %swap3A_134 = vector.shape_cast %shift_left3A_126 : vector<16xi32> to vector<16xi32>
      tpu.vector_store %arg15[%swap3A_131], %swap3A_134 {strides = array<i32>} : memref<48xi32, #tpu.memory_space<vmem>>, vector<16xi32>,
      %dma_start3A = arith.constant 0 : i32
      %dma_start3A_135 = arith.constant 0 : i32
      %dma_start3A_136 = tpu.memref_slice %arg16[%dma_start3A, %dma_start3A_135] : memref<640x128xf32, #tpu.memory_space<vmem>> -> memref<128x128xf32, #tpu.memory_space<vmem>>
      %dma_start3A_137 = arith.constant 0 : i32
      %dma_start3A_138 = tpu.memref_slice %arg10[%dma_start3A_137] : memref<640xi32, #tpu.memory_space<vmem>> -> memref<128xi32, #tpu.memory_space<vmem>>
      %dma_start3A_139 = arith.constant 0 : i32
      %dma_start3A_140 = arith.constant 0 : i32
      %dma_start3A_141 = tpu.memref_slice %arg5[%dma_start3A_139, %dma_start3A_140] : memref<507904x128xf32, #tpu.memory_space<hbm>> -> memref<507904x128xf32, #tpu.memory_space<hbm>>
      tpu.enqueue_indirect_dma source(%dma_start3A_141 : memref<507904x128xf32, #tpu.memory_space<hbm>>) target(%dma_start3A_136 : memref<128x128xf32, #tpu.memory_space<vmem>>) offsets(%dma_start3A_138 : memref<128xi32, #tpu.memory_space<vmem>>) semaphore(%arg21 : memref<!tpu.dma_semaphore, #tpu.memory_space<semaphore_mem>>)
      %dma_start3A_142 = arith.constant 128 : i32
      %dma_start3A_143 = arith.constant 0 : i32
      %dma_start3A_144 = tpu.memref_slice %arg16[%dma_start3A_142, %dma_start3A_143] : memref<640x128xf32, #tpu.memory_space<vmem>> -> memref<128x128xf32, #tpu.memory_space<vmem>>
      %dma_start3A_145 = arith.constant 128 : i32
      %dma_start3A_146 = tpu.memref_slice %arg10[%dma_start3A_145] : memref<640xi32, #tpu.memory_space<vmem>> -> memref<128xi32, #tpu.memory_space<vmem>>
      %dma_start3A_147 = arith.constant 0 : i32
      %dma_start3A_148 = arith.constant 0 : i32
      %dma_start3A_149 = tpu.memref_slice %arg5[%dma_start3A_147, %dma_start3A_148] : memref<507904x128xf32, #tpu.memory_space<hbm>> -> memref<507904x128xf32, #tpu.memory_space<hbm>>
      tpu.enqueue_indirect_dma source(%dma_start3A_149 : memref<507904x128xf32, #tpu.memory_space<hbm>>) target(%dma_start3A_144 : memref<128x128xf32, #tpu.memory_space<vmem>>) offsets(%dma_start3A_146 : memref<128xi32, #tpu.memory_space<vmem>>) semaphore(%arg21 : memref<!tpu.dma_semaphore, #tpu.memory_space<semaphore_mem>>)
      %dma_start3A_150 = arith.constant 256 : i32
      %dma_start3A_151 = arith.constant 0 : i32
      %dma_start3A_152 = tpu.memref_slice %arg16[%dma_start3A_150, %dma_start3A_151] : memref<640x128xf32, #tpu.memory_space<vmem>> -> memref<128x128xf32, #tpu.memory_space<vmem>>
      %dma_start3A_153 = arith.constant 256 : i32
      %dma_start3A_154 = tpu.memref_slice %arg10[%dma_start3A_153] : memref<640xi32, #tpu.memory_space<vmem>> -> memref<128xi32, #tpu.memory_space<vmem>>
      %dma_start3A_155 = arith.constant 0 : i32
      %dma_start3A_156 = arith.constant 0 : i32
      %dma_start3A_157 = tpu.memref_slice %arg5[%dma_start3A_155, %dma_start3A_156] : memref<507904x128xf32, #tpu.memory_space<hbm>> -> memref<507904x128xf32, #tpu.memory_space<hbm>>
      tpu.enqueue_indirect_dma source(%dma_start3A_157 : memref<507904x128xf32, #tpu.memory_space<hbm>>) target(%dma_start3A_152 : memref<128x128xf32, #tpu.memory_space<vmem>>) offsets(%dma_start3A_154 : memref<128xi32, #tpu.memory_space<vmem>>) semaphore(%arg21 : memref<!tpu.dma_semaphore, #tpu.memory_space<semaphore_mem>>)
      %dma_start3A_158 = arith.constant 384 : i32
      %dma_start3A_159 = arith.constant 0 : i32
      %dma_start3A_160 = tpu.memref_slice %arg16[%dma_start3A_158, %dma_start3A_159] : memref<640x128xf32, #tpu.memory_space<vmem>> -> memref<128x128xf32, #tpu.memory_space<vmem>>
      %dma_start3A_161 = arith.constant 384 : i32
      %dma_start3A_162 = tpu.memref_slice %arg10[%dma_start3A_161] : memref<640xi32, #tpu.memory_space<vmem>> -> memref<128xi32, #tpu.memory_space<vmem>>
      %dma_start3A_163 = arith.constant 0 : i32
      %dma_start3A_164 = arith.constant 0 : i32
      %dma_start3A_165 = tpu.memref_slice %arg5[%dma_start3A_163, %dma_start3A_164] : memref<507904x128xf32, #tpu.memory_space<hbm>> -> memref<507904x128xf32, #tpu.memory_space<hbm>>
      tpu.enqueue_indirect_dma source(%dma_start3A_165 : memref<507904x128xf32, #tpu.memory_space<hbm>>) target(%dma_start3A_160 : memref<128x128xf32, #tpu.memory_space<vmem>>) offsets(%dma_start3A_162 : memref<128xi32, #tpu.memory_space<vmem>>) semaphore(%arg21 : memref<!tpu.dma_semaphore, #tpu.memory_space<semaphore_mem>>)
      %dma_start3A_166 = arith.constant 512 : i32
      %dma_start3A_167 = arith.constant 0 : i32
      %dma_start3A_168 = tpu.memref_slice %arg16[%dma_start3A_166, %dma_start3A_167] : memref<640x128xf32, #tpu.memory_space<vmem>> -> memref<128x128xf32, #tpu.memory_space<vmem>>
      %dma_start3A_169 = arith.constant 512 : i32
      %dma_start3A_170 = tpu.memref_slice %arg10[%dma_start3A_169] : memref<640xi32, #tpu.memory_space<vmem>> -> memref<128xi32, #tpu.memory_space<vmem>>
      %dma_start3A_171 = arith.constant 0 : i32
      %dma_start3A_172 = arith.constant 0 : i32
      %dma_start3A_173 = tpu.memref_slice %arg5[%dma_start3A_171, %dma_start3A_172] : memref<507904x128xf32, #tpu.memory_space<hbm>> -> memref<507904x128xf32, #tpu.memory_space<hbm>>
      tpu.enqueue_indirect_dma source(%dma_start3A_173 : memref<507904x128xf32, #tpu.memory_space<hbm>>) target(%dma_start3A_168 : memref<128x128xf32, #tpu.memory_space<vmem>>) offsets(%dma_start3A_170 : memref<128xi32, #tpu.memory_space<vmem>>) semaphore(%arg21 : memref<!tpu.dma_semaphore, #tpu.memory_space<semaphore_mem>>)
      %dma_start3A_174 = arith.constant 0 : i32
      %dma_start3A_175 = arith.constant 0 : i32
      %dma_start3A_176 = tpu.memref_slice %arg6[%dma_start3A_174, %dma_start3A_175] : memref<57344x128xf32, #tpu.memory_space<hbm>> -> memref<57344x128xf32, #tpu.memory_space<hbm>>
      tpu.enqueue_indirect_dma source(%dma_start3A_176 : memref<57344x128xf32, #tpu.memory_space<hbm>>) target(%arg17 : memref<32x128xf32, #tpu.memory_space<vmem>>) offsets(%arg12 : memref<32xi32, #tpu.memory_space<vmem>>) semaphore(%arg22 : memref<!tpu.dma_semaphore, #tpu.memory_space<semaphore_mem>>)
      %dma_start3A_177 = arith.constant 0 : i32
      %dma_start3A_178 = arith.constant 0 : i32
      %dma_start3A_179 = tpu.memref_slice %arg5[%dma_start3A_177, %dma_start3A_178] : memref<507904x128xf32, #tpu.memory_space<hbm>> -> memref<507904x128xf32, #tpu.memory_space<hbm>>
      tpu.enqueue_indirect_dma source(%dma_start3A_179 : memref<507904x128xf32, #tpu.memory_space<hbm>>) target(%arg18 : memref<32x128xf32, #tpu.memory_space<vmem>>) offsets(%arg14 : memref<32xi32, #tpu.memory_space<vmem>>) semaphore(%arg23 : memref<!tpu.dma_semaphore, #tpu.memory_space<semaphore_mem>>)
      %dma_wait3A = arith.constant 0 : i32
      %dma_wait3A_180 = arith.constant 0 : i32
      %dma_wait3A_181 = tpu.memref_slice %arg16[%dma_wait3A, %dma_wait3A_180] : memref<640x128xf32, #tpu.memory_space<vmem>> -> memref<128x128xf32, #tpu.memory_space<vmem>>
      %dma_wait3A_182 = arith.constant 0 : i32
      %dma_wait3A_183 = tpu.memref_slice %arg10[%dma_wait3A_182] : memref<640xi32, #tpu.memory_space<vmem>> -> memref<128xi32, #tpu.memory_space<vmem>>
      %dma_wait3A_184 = arith.constant 0 : i32
      %dma_wait3A_185 = arith.constant 0 : i32
      %dma_wait3A_186 = tpu.memref_slice %arg5[%dma_wait3A_184, %dma_wait3A_185] : memref<507904x128xf32, #tpu.memory_space<hbm>> -> memref<507904x128xf32, #tpu.memory_space<hbm>>
      tpu.wait_indirect_dma semaphore(%arg21 : memref<!tpu.dma_semaphore, #tpu.memory_space<semaphore_mem>>) src(%dma_wait3A_186 : memref<507904x128xf32, #tpu.memory_space<hbm>>) dst(%dma_wait3A_181 : memref<128x128xf32, #tpu.memory_space<vmem>>)
      %dma_wait3A_187 = arith.constant 128 : i32
      %dma_wait3A_188 = arith.constant 0 : i32
      %dma_wait3A_189 = tpu.memref_slice %arg16[%dma_wait3A_187, %dma_wait3A_188] : memref<640x128xf32, #tpu.memory_space<vmem>> -> memref<128x128xf32, #tpu.memory_space<vmem>>
      %dma_wait3A_190 = arith.constant 128 : i32
      %dma_wait3A_191 = tpu.memref_slice %arg10[%dma_wait3A_190] : memref<640xi32, #tpu.memory_space<vmem>> -> memref<128xi32, #tpu.memory_space<vmem>>
      %dma_wait3A_192 = arith.constant 0 : i32
      %dma_wait3A_193 = arith.constant 0 : i32
      %dma_wait3A_194 = tpu.memref_slice %arg5[%dma_wait3A_192, %dma_wait3A_193] : memref<507904x128xf32, #tpu.memory_space<hbm>> -> memref<507904x128xf32, #tpu.memory_space<hbm>>
      tpu.wait_indirect_dma semaphore(%arg21 : memref<!tpu.dma_semaphore, #tpu.memory_space<semaphore_mem>>) src(%dma_wait3A_194 : memref<507904x128xf32, #tpu.memory_space<hbm>>) dst(%dma_wait3A_189 : memref<128x128xf32, #tpu.memory_space<vmem>>)
      %dma_wait3A_195 = arith.constant 256 : i32
      %dma_wait3A_196 = arith.constant 0 : i32
      %dma_wait3A_197 = tpu.memref_slice %arg16[%dma_wait3A_195, %dma_wait3A_196] : memref<640x128xf32, #tpu.memory_space<vmem>> -> memref<128x128xf32, #tpu.memory_space<vmem>>
      %dma_wait3A_198 = arith.constant 256 : i32
      %dma_wait3A_199 = tpu.memref_slice %arg10[%dma_wait3A_198] : memref<640xi32, #tpu.memory_space<vmem>> -> memref<128xi32, #tpu.memory_space<vmem>>
      %dma_wait3A_200 = arith.constant 0 : i32
      %dma_wait3A_201 = arith.constant 0 : i32
      %dma_wait3A_202 = tpu.memref_slice %arg5[%dma_wait3A_200, %dma_wait3A_201] : memref<507904x128xf32, #tpu.memory_space<hbm>> -> memref<507904x128xf32, #tpu.memory_space<hbm>>
      tpu.wait_indirect_dma semaphore(%arg21 : memref<!tpu.dma_semaphore, #tpu.memory_space<semaphore_mem>>) src(%dma_wait3A_202 : memref<507904x128xf32, #tpu.memory_space<hbm>>) dst(%dma_wait3A_197 : memref<128x128xf32, #tpu.memory_space<vmem>>)
      %dma_wait3A_203 = arith.constant 384 : i32
      %dma_wait3A_204 = arith.constant 0 : i32
      %dma_wait3A_205 = tpu.memref_slice %arg16[%dma_wait3A_203, %dma_wait3A_204] : memref<640x128xf32, #tpu.memory_space<vmem>> -> memref<128x128xf32, #tpu.memory_space<vmem>>
      %dma_wait3A_206 = arith.constant 384 : i32
      %dma_wait3A_207 = tpu.memref_slice %arg10[%dma_wait3A_206] : memref<640xi32, #tpu.memory_space<vmem>> -> memref<128xi32, #tpu.memory_space<vmem>>
      %dma_wait3A_208 = arith.constant 0 : i32
      %dma_wait3A_209 = arith.constant 0 : i32
      %dma_wait3A_210 = tpu.memref_slice %arg5[%dma_wait3A_208, %dma_wait3A_209] : memref<507904x128xf32, #tpu.memory_space<hbm>> -> memref<507904x128xf32, #tpu.memory_space<hbm>>
      tpu.wait_indirect_dma semaphore(%arg21 : memref<!tpu.dma_semaphore, #tpu.memory_space<semaphore_mem>>) src(%dma_wait3A_210 : memref<507904x128xf32, #tpu.memory_space<hbm>>) dst(%dma_wait3A_205 : memref<128x128xf32, #tpu.memory_space<vmem>>)
      %dma_wait3A_211 = arith.constant 512 : i32
      %dma_wait3A_212 = arith.constant 0 : i32
      %dma_wait3A_213 = tpu.memref_slice %arg16[%dma_wait3A_211, %dma_wait3A_212] : memref<640x128xf32, #tpu.memory_space<vmem>> -> memref<128x128xf32, #tpu.memory_space<vmem>>
      %dma_wait3A_214 = arith.constant 512 : i32
      %dma_wait3A_215 = tpu.memref_slice %arg10[%dma_wait3A_214] : memref<640xi32, #tpu.memory_space<vmem>> -> memref<128xi32, #tpu.memory_space<vmem>>
      %dma_wait3A_216 = arith.constant 0 : i32
      %dma_wait3A_217 = arith.constant 0 : i32
      %dma_wait3A_218 = tpu.memref_slice %arg5[%dma_wait3A_216, %dma_wait3A_217] : memref<507904x128xf32, #tpu.memory_space<hbm>> -> memref<507904x128xf32, #tpu.memory_space<hbm>>
      tpu.wait_indirect_dma semaphore(%arg21 : memref<!tpu.dma_semaphore, #tpu.memory_space<semaphore_mem>>) src(%dma_wait3A_218 : memref<507904x128xf32, #tpu.memory_space<hbm>>) dst(%dma_wait3A_213 : memref<128x128xf32, #tpu.memory_space<vmem>>)
      %dma_wait3A_219 = arith.constant 0 : i32
      %dma_wait3A_220 = arith.constant 0 : i32
      %dma_wait3A_221 = tpu.memref_slice %arg6[%dma_wait3A_219, %dma_wait3A_220] : memref<57344x128xf32, #tpu.memory_space<hbm>> -> memref<57344x128xf32, #tpu.memory_space<hbm>>
      tpu.wait_indirect_dma semaphore(%arg22 : memref<!tpu.dma_semaphore, #tpu.memory_space<semaphore_mem>>) src(%dma_wait3A_221 : memref<57344x128xf32, #tpu.memory_space<hbm>>) dst(%arg17 : memref<32x128xf32, #tpu.memory_space<vmem>>)
      %dma_wait3A_222 = arith.constant 0 : i32
      %dma_wait3A_223 = arith.constant 0 : i32
      %dma_wait3A_224 = tpu.memref_slice %arg5[%dma_wait3A_222, %dma_wait3A_223] : memref<507904x128xf32, #tpu.memory_space<hbm>> -> memref<507904x128xf32, #tpu.memory_space<hbm>>
      tpu.wait_indirect_dma semaphore(%arg23 : memref<!tpu.dma_semaphore, #tpu.memory_space<semaphore_mem>>) src(%dma_wait3A_224 : memref<507904x128xf32, #tpu.memory_space<hbm>>) dst(%arg18 : memref<32x128xf32, #tpu.memory_space<vmem>>)
      %scan3A_225 = arith.constant 0 : i32
      %scan3A_226 = arith.constant 0 : i32
      %scan3A_227 = arith.constant 32 : i32
      %scan3A_228 = arith.addi %scan3A_226, %scan3A_227 : i32
      %scan3A_229 = arith.constant 1 : i32
      scf.for %scan3A_231 = %scan3A_226 to %scan3A_228 step %scan3A_229  : i32 {
        %get3A_232 = arith.index_cast %scan3A_231 : i32 to index
        %get3A_233 = tpu.vector_load %arg13[%get3A_232] {strides = array<i32>} : memref<48xi32, #tpu.memory_space<vmem>>, vector<16xi32>,
        %get3A_234 = vector.shape_cast %get3A_233 : vector<16xi32> to vector<16xi32>
        %slice3A = vector.extract_strided_slice %get3A_234 {offsets = [0], sizes = [1], strides = [1]} : vector<16xi32> to vector<1xi32>
        %squeeze3A = vector.extract %slice3A[0] : i32 from vector<1xi32>
        %get3A_235 = arith.index_cast %scan3A_231 : i32 to index
        %get3A_236 = tpu.vector_load %arg15[%get3A_235] {strides = array<i32>} : memref<48xi32, #tpu.memory_space<vmem>>, vector<16xi32>,
        %get3A_237 = vector.shape_cast %get3A_236 : vector<16xi32> to vector<16xi32>
        %slice3A_238 = vector.extract_strided_slice %get3A_237 {offsets = [0], sizes = [1], strides = [1]} : vector<16xi32> to vector<1xi32>
        %squeeze3A_239 = vector.extract %slice3A_238[0] : i32 from vector<1xi32>
        %mul3A_240 = arith.constant 20 : i32
        %mul3A_241 = arith.muli %scan3A_231, %mul3A_240 : i32
        %get3A_242 = arith.index_cast %mul3A_241 : i32 to index
        %get3A_243 = tpu.vector_load %arg11[%get3A_242] {strides = array<i32>} : memref<656xi32, #tpu.memory_space<vmem>>, vector<16xi32>,
        %get3A_244 = vector.shape_cast %get3A_243 : vector<16xi32> to vector<16xi32>
        %mul3A_245 = arith.constant 20 : i32
        %mul3A_246 = arith.muli %scan3A_231, %mul3A_245 : i32
        %add3A_247 = arith.constant 16 : i32
        %add3A_248 = arith.addi %mul3A_246, %add3A_247 : i32
        %get3A_249 = arith.index_cast %add3A_248 : i32 to index
        %get3A_250 = tpu.vector_load %arg11[%get3A_249] {strides = array<i32>} : memref<656xi32, #tpu.memory_space<vmem>>, vector<16xi32>,
        %get3A_251 = vector.shape_cast %get3A_250 : vector<16xi32> to vector<16xi32>
        %slice3A_252 = vector.extract_strided_slice %get3A_244 {offsets = [0], sizes = [1], strides = [1]} : vector<16xi32> to vector<1xi32>
        %squeeze3A_253 = vector.extract %slice3A_252[0] : i32 from vector<1xi32>
        %slice3A_254 = vector.extract_strided_slice %get3A_244 {offsets = [1], sizes = [1], strides = [1]} : vector<16xi32> to vector<1xi32>
        %squeeze3A_255 = vector.extract %slice3A_254[0] : i32 from vector<1xi32>
        %slice3A_256 = vector.extract_strided_slice %get3A_244 {offsets = [2], sizes = [1], strides = [1]} : vector<16xi32> to vector<1xi32>
        %squeeze3A_257 = vector.extract %slice3A_256[0] : i32 from vector<1xi32>
        %slice3A_258 = vector.extract_strided_slice %get3A_244 {offsets = [3], sizes = [1], strides = [1]} : vector<16xi32> to vector<1xi32>
        %squeeze3A_259 = vector.extract %slice3A_258[0] : i32 from vector<1xi32>
        %slice3A_260 = vector.extract_strided_slice %get3A_244 {offsets = [4], sizes = [1], strides = [1]} : vector<16xi32> to vector<1xi32>
        %squeeze3A_261 = vector.extract %slice3A_260[0] : i32 from vector<1xi32>
        %slice3A_262 = vector.extract_strided_slice %get3A_244 {offsets = [5], sizes = [1], strides = [1]} : vector<16xi32> to vector<1xi32>
        %squeeze3A_263 = vector.extract %slice3A_262[0] : i32 from vector<1xi32>
        %slice3A_264 = vector.extract_strided_slice %get3A_244 {offsets = [6], sizes = [1], strides = [1]} : vector<16xi32> to vector<1xi32>
        %squeeze3A_265 = vector.extract %slice3A_264[0] : i32 from vector<1xi32>
        %slice3A_266 = vector.extract_strided_slice %get3A_244 {offsets = [7], sizes = [1], strides = [1]} : vector<16xi32> to vector<1xi32>
        %squeeze3A_267 = vector.extract %slice3A_266[0] : i32 from vector<1xi32>
        %slice3A_268 = vector.extract_strided_slice %get3A_244 {offsets = [8], sizes = [1], strides = [1]} : vector<16xi32> to vector<1xi32>
        %squeeze3A_269 = vector.extract %slice3A_268[0] : i32 from vector<1xi32>
        %slice3A_270 = vector.extract_strided_slice %get3A_244 {offsets = [9], sizes = [1], strides = [1]} : vector<16xi32> to vector<1xi32>
        %squeeze3A_271 = vector.extract %slice3A_270[0] : i32 from vector<1xi32>
        %slice3A_272 = vector.extract_strided_slice %get3A_244 {offsets = [10], sizes = [1], strides = [1]} : vector<16xi32> to vector<1xi32>
        %squeeze3A_273 = vector.extract %slice3A_272[0] : i32 from vector<1xi32>
        %slice3A_274 = vector.extract_strided_slice %get3A_244 {offsets = [11], sizes = [1], strides = [1]} : vector<16xi32> to vector<1xi32>
        %squeeze3A_275 = vector.extract %slice3A_274[0] : i32 from vector<1xi32>
        %slice3A_276 = vector.extract_strided_slice %get3A_244 {offsets = [12], sizes = [1], strides = [1]} : vector<16xi32> to vector<1xi32>
        %squeeze3A_277 = vector.extract %slice3A_276[0] : i32 from vector<1xi32>
        %slice3A_278 = vector.extract_strided_slice %get3A_244 {offsets = [13], sizes = [1], strides = [1]} : vector<16xi32> to vector<1xi32>
        %squeeze3A_279 = vector.extract %slice3A_278[0] : i32 from vector<1xi32>
        %slice3A_280 = vector.extract_strided_slice %get3A_244 {offsets = [14], sizes = [1], strides = [1]} : vector<16xi32> to vector<1xi32>
        %squeeze3A_281 = vector.extract %slice3A_280[0] : i32 from vector<1xi32>
        %slice3A_282 = vector.extract_strided_slice %get3A_244 {offsets = [15], sizes = [1], strides = [1]} : vector<16xi32> to vector<1xi32>
        %squeeze3A_283 = vector.extract %slice3A_282[0] : i32 from vector<1xi32>
        %slice3A_284 = vector.extract_strided_slice %get3A_251 {offsets = [0], sizes = [1], strides = [1]} : vector<16xi32> to vector<1xi32>
        %squeeze3A_285 = vector.extract %slice3A_284[0] : i32 from vector<1xi32>
        %slice3A_286 = vector.extract_strided_slice %get3A_251 {offsets = [1], sizes = [1], strides = [1]} : vector<16xi32> to vector<1xi32>
        %squeeze3A_287 = vector.extract %slice3A_286[0] : i32 from vector<1xi32>
        %slice3A_288 = vector.extract_strided_slice %get3A_251 {offsets = [2], sizes = [1], strides = [1]} : vector<16xi32> to vector<1xi32>
        %squeeze3A_289 = vector.extract %slice3A_288[0] : i32 from vector<1xi32>
        %slice3A_290 = vector.extract_strided_slice %get3A_251 {offsets = [3], sizes = [1], strides = [1]} : vector<16xi32> to vector<1xi32>
        %squeeze3A_291 = vector.extract %slice3A_290[0] : i32 from vector<1xi32>
        %add3A_292 = arith.constant 0 : i32
        %add3A_293 = arith.addi %squeeze3A, %add3A_292 : i32
        %get3A_294 = arith.index_cast %scan3A_231 : i32 to index
        %get3A_295 = arith.index_cast %add3A_293 : i32 to index
        %get3A_296 = tpu.vector_load %arg17[%get3A_294, %get3A_295] {strides = array<i32>} : memref<32x128xf32, #tpu.memory_space<vmem>>, vector<1x16xf32>,
        %get3A_297 = vector.shape_cast %get3A_296 : vector<1x16xf32> to vector<16xf32>
        %mul3A_298 = arith.constant 20 : i32
        %mul3A_299 = arith.muli %scan3A_231, %mul3A_298 : i32
        %add3A_300 = arith.constant 0 : i32
        %add3A_301 = arith.addi %mul3A_299, %add3A_300 : i32
        %add3A_302 = arith.constant 0 : i32
        %add3A_303 = arith.addi %squeeze3A_253, %add3A_302 : i32
        %get3A_304 = arith.index_cast %add3A_301 : i32 to index
        %get3A_305 = arith.index_cast %add3A_303 : i32 to index
        %get3A_306 = tpu.vector_load %arg16[%get3A_304, %get3A_305] {strides = array<i32>} : memref<640x128xf32, #tpu.memory_space<vmem>>, vector<1x16xf32>,
        %get3A_307 = vector.shape_cast %get3A_306 : vector<1x16xf32> to vector<16xf32>
        %add3A_308 = arith.addf %get3A_297, %get3A_307 : vector<16xf32>
        %mul3A_309 = arith.constant 20 : i32
        %mul3A_310 = arith.muli %scan3A_231, %mul3A_309 : i32
        %add3A_311 = arith.constant 1 : i32
        %add3A_312 = arith.addi %mul3A_310, %add3A_311 : i32
        %add3A_313 = arith.constant 0 : i32
        %add3A_314 = arith.addi %squeeze3A_255, %add3A_313 : i32
        %get3A_315 = arith.index_cast %add3A_312 : i32 to index
        %get3A_316 = arith.index_cast %add3A_314 : i32 to index
        %get3A_317 = tpu.vector_load %arg16[%get3A_315, %get3A_316] {strides = array<i32>} : memref<640x128xf32, #tpu.memory_space<vmem>>, vector<1x16xf32>,
        %get3A_318 = vector.shape_cast %get3A_317 : vector<1x16xf32> to vector<16xf32>
        %add3A_319 = arith.addf %add3A_308, %get3A_318 : vector<16xf32>
        %mul3A_320 = arith.constant 20 : i32
        %mul3A_321 = arith.muli %scan3A_231, %mul3A_320 : i32
        %add3A_322 = arith.constant 2 : i32
        %add3A_323 = arith.addi %mul3A_321, %add3A_322 : i32
        %add3A_324 = arith.constant 0 : i32
        %add3A_325 = arith.addi %squeeze3A_257, %add3A_324 : i32
        %get3A_326 = arith.index_cast %add3A_323 : i32 to index
        %get3A_327 = arith.index_cast %add3A_325 : i32 to index
        %get3A_328 = tpu.vector_load %arg16[%get3A_326, %get3A_327] {strides = array<i32>} : memref<640x128xf32, #tpu.memory_space<vmem>>, vector<1x16xf32>,
        %get3A_329 = vector.shape_cast %get3A_328 : vector<1x16xf32> to vector<16xf32>
        %add3A_330 = arith.addf %add3A_319, %get3A_329 : vector<16xf32>
        %mul3A_331 = arith.constant 20 : i32
        %mul3A_332 = arith.muli %scan3A_231, %mul3A_331 : i32
        %add3A_333 = arith.constant 3 : i32
        %add3A_334 = arith.addi %mul3A_332, %add3A_333 : i32
        %add3A_335 = arith.constant 0 : i32
        %add3A_336 = arith.addi %squeeze3A_259, %add3A_335 : i32
        %get3A_337 = arith.index_cast %add3A_334 : i32 to index
        %get3A_338 = arith.index_cast %add3A_336 : i32 to index
        %get3A_339 = tpu.vector_load %arg16[%get3A_337, %get3A_338] {strides = array<i32>} : memref<640x128xf32, #tpu.memory_space<vmem>>, vector<1x16xf32>,
        %get3A_340 = vector.shape_cast %get3A_339 : vector<1x16xf32> to vector<16xf32>
        %add3A_341 = arith.addf %add3A_330, %get3A_340 : vector<16xf32>
        %mul3A_342 = arith.constant 20 : i32
        %mul3A_343 = arith.muli %scan3A_231, %mul3A_342 : i32
        %add3A_344 = arith.constant 4 : i32
        %add3A_345 = arith.addi %mul3A_343, %add3A_344 : i32
        %add3A_346 = arith.constant 0 : i32
        %add3A_347 = arith.addi %squeeze3A_261, %add3A_346 : i32
        %get3A_348 = arith.index_cast %add3A_345 : i32 to index
        %get3A_349 = arith.index_cast %add3A_347 : i32 to index
        %get3A_350 = tpu.vector_load %arg16[%get3A_348, %get3A_349] {strides = array<i32>} : memref<640x128xf32, #tpu.memory_space<vmem>>, vector<1x16xf32>,
        %get3A_351 = vector.shape_cast %get3A_350 : vector<1x16xf32> to vector<16xf32>
        %add3A_352 = arith.addf %add3A_341, %get3A_351 : vector<16xf32>
        %mul3A_353 = arith.constant 20 : i32
        %mul3A_354 = arith.muli %scan3A_231, %mul3A_353 : i32
        %add3A_355 = arith.constant 5 : i32
        %add3A_356 = arith.addi %mul3A_354, %add3A_355 : i32
        %add3A_357 = arith.constant 0 : i32
        %add3A_358 = arith.addi %squeeze3A_263, %add3A_357 : i32
        %get3A_359 = arith.index_cast %add3A_356 : i32 to index
        %get3A_360 = arith.index_cast %add3A_358 : i32 to index
        %get3A_361 = tpu.vector_load %arg16[%get3A_359, %get3A_360] {strides = array<i32>} : memref<640x128xf32, #tpu.memory_space<vmem>>, vector<1x16xf32>,
        %get3A_362 = vector.shape_cast %get3A_361 : vector<1x16xf32> to vector<16xf32>
        %add3A_363 = arith.addf %add3A_352, %get3A_362 : vector<16xf32>
        %mul3A_364 = arith.constant 20 : i32
        %mul3A_365 = arith.muli %scan3A_231, %mul3A_364 : i32
        %add3A_366 = arith.constant 6 : i32
        %add3A_367 = arith.addi %mul3A_365, %add3A_366 : i32
        %add3A_368 = arith.constant 0 : i32
        %add3A_369 = arith.addi %squeeze3A_265, %add3A_368 : i32
        %get3A_370 = arith.index_cast %add3A_367 : i32 to index
        %get3A_371 = arith.index_cast %add3A_369 : i32 to index
        %get3A_372 = tpu.vector_load %arg16[%get3A_370, %get3A_371] {strides = array<i32>} : memref<640x128xf32, #tpu.memory_space<vmem>>, vector<1x16xf32>,
        %get3A_373 = vector.shape_cast %get3A_372 : vector<1x16xf32> to vector<16xf32>
        %add3A_374 = arith.addf %add3A_363, %get3A_373 : vector<16xf32>
        %mul3A_375 = arith.constant 20 : i32
        %mul3A_376 = arith.muli %scan3A_231, %mul3A_375 : i32
        %add3A_377 = arith.constant 7 : i32
        %add3A_378 = arith.addi %mul3A_376, %add3A_377 : i32
        %add3A_379 = arith.constant 0 : i32
        %add3A_380 = arith.addi %squeeze3A_267, %add3A_379 : i32
        %get3A_381 = arith.index_cast %add3A_378 : i32 to index
        %get3A_382 = arith.index_cast %add3A_380 : i32 to index
        %get3A_383 = tpu.vector_load %arg16[%get3A_381, %get3A_382] {strides = array<i32>} : memref<640x128xf32, #tpu.memory_space<vmem>>, vector<1x16xf32>,
        %get3A_384 = vector.shape_cast %get3A_383 : vector<1x16xf32> to vector<16xf32>
        %add3A_385 = arith.addf %add3A_374, %get3A_384 : vector<16xf32>
        %mul3A_386 = arith.constant 20 : i32
        %mul3A_387 = arith.muli %scan3A_231, %mul3A_386 : i32
        %add3A_388 = arith.constant 8 : i32
        %add3A_389 = arith.addi %mul3A_387, %add3A_388 : i32
        %add3A_390 = arith.constant 0 : i32
        %add3A_391 = arith.addi %squeeze3A_269, %add3A_390 : i32
        %get3A_392 = arith.index_cast %add3A_389 : i32 to index
        %get3A_393 = arith.index_cast %add3A_391 : i32 to index
        %get3A_394 = tpu.vector_load %arg16[%get3A_392, %get3A_393] {strides = array<i32>} : memref<640x128xf32, #tpu.memory_space<vmem>>, vector<1x16xf32>,
        %get3A_395 = vector.shape_cast %get3A_394 : vector<1x16xf32> to vector<16xf32>
        %add3A_396 = arith.addf %add3A_385, %get3A_395 : vector<16xf32>
        %mul3A_397 = arith.constant 20 : i32
        %mul3A_398 = arith.muli %scan3A_231, %mul3A_397 : i32
        %add3A_399 = arith.constant 9 : i32
        %add3A_400 = arith.addi %mul3A_398, %add3A_399 : i32
        %add3A_401 = arith.constant 0 : i32
        %add3A_402 = arith.addi %squeeze3A_271, %add3A_401 : i32
        %get3A_403 = arith.index_cast %add3A_400 : i32 to index
        %get3A_404 = arith.index_cast %add3A_402 : i32 to index
        %get3A_405 = tpu.vector_load %arg16[%get3A_403, %get3A_404] {strides = array<i32>} : memref<640x128xf32, #tpu.memory_space<vmem>>, vector<1x16xf32>,
        %get3A_406 = vector.shape_cast %get3A_405 : vector<1x16xf32> to vector<16xf32>
        %add3A_407 = arith.addf %add3A_396, %get3A_406 : vector<16xf32>
        %mul3A_408 = arith.constant 20 : i32
        %mul3A_409 = arith.muli %scan3A_231, %mul3A_408 : i32
        %add3A_410 = arith.constant 10 : i32
        %add3A_411 = arith.addi %mul3A_409, %add3A_410 : i32
        %add3A_412 = arith.constant 0 : i32
        %add3A_413 = arith.addi %squeeze3A_273, %add3A_412 : i32
        %get3A_414 = arith.index_cast %add3A_411 : i32 to index
        %get3A_415 = arith.index_cast %add3A_413 : i32 to index
        %get3A_416 = tpu.vector_load %arg16[%get3A_414, %get3A_415] {strides = array<i32>} : memref<640x128xf32, #tpu.memory_space<vmem>>, vector<1x16xf32>,
        %get3A_417 = vector.shape_cast %get3A_416 : vector<1x16xf32> to vector<16xf32>
        %add3A_418 = arith.addf %add3A_407, %get3A_417 : vector<16xf32>
        %mul3A_419 = arith.constant 20 : i32
        %mul3A_420 = arith.muli %scan3A_231, %mul3A_419 : i32
        %add3A_421 = arith.constant 11 : i32
        %add3A_422 = arith.addi %mul3A_420, %add3A_421 : i32
        %add3A_423 = arith.constant 0 : i32
        %add3A_424 = arith.addi %squeeze3A_275, %add3A_423 : i32
        %get3A_425 = arith.index_cast %add3A_422 : i32 to index
        %get3A_426 = arith.index_cast %add3A_424 : i32 to index
        %get3A_427 = tpu.vector_load %arg16[%get3A_425, %get3A_426] {strides = array<i32>} : memref<640x128xf32, #tpu.memory_space<vmem>>, vector<1x16xf32>,
        %get3A_428 = vector.shape_cast %get3A_427 : vector<1x16xf32> to vector<16xf32>
        %add3A_429 = arith.addf %add3A_418, %get3A_428 : vector<16xf32>
        %mul3A_430 = arith.constant 20 : i32
        %mul3A_431 = arith.muli %scan3A_231, %mul3A_430 : i32
        %add3A_432 = arith.constant 12 : i32
        %add3A_433 = arith.addi %mul3A_431, %add3A_432 : i32
        %add3A_434 = arith.constant 0 : i32
        %add3A_435 = arith.addi %squeeze3A_277, %add3A_434 : i32
        %get3A_436 = arith.index_cast %add3A_433 : i32 to index
        %get3A_437 = arith.index_cast %add3A_435 : i32 to index
        %get3A_438 = tpu.vector_load %arg16[%get3A_436, %get3A_437] {strides = array<i32>} : memref<640x128xf32, #tpu.memory_space<vmem>>, vector<1x16xf32>,
        %get3A_439 = vector.shape_cast %get3A_438 : vector<1x16xf32> to vector<16xf32>
        %add3A_440 = arith.addf %add3A_429, %get3A_439 : vector<16xf32>
        %mul3A_441 = arith.constant 20 : i32
        %mul3A_442 = arith.muli %scan3A_231, %mul3A_441 : i32
        %add3A_443 = arith.constant 13 : i32
        %add3A_444 = arith.addi %mul3A_442, %add3A_443 : i32
        %add3A_445 = arith.constant 0 : i32
        %add3A_446 = arith.addi %squeeze3A_279, %add3A_445 : i32
        %get3A_447 = arith.index_cast %add3A_444 : i32 to index
        %get3A_448 = arith.index_cast %add3A_446 : i32 to index
        %get3A_449 = tpu.vector_load %arg16[%get3A_447, %get3A_448] {strides = array<i32>} : memref<640x128xf32, #tpu.memory_space<vmem>>, vector<1x16xf32>,
        %get3A_450 = vector.shape_cast %get3A_449 : vector<1x16xf32> to vector<16xf32>
        %add3A_451 = arith.addf %add3A_440, %get3A_450 : vector<16xf32>
        %mul3A_452 = arith.constant 20 : i32
        %mul3A_453 = arith.muli %scan3A_231, %mul3A_452 : i32
        %add3A_454 = arith.constant 14 : i32
        %add3A_455 = arith.addi %mul3A_453, %add3A_454 : i32
        %add3A_456 = arith.constant 0 : i32
        %add3A_457 = arith.addi %squeeze3A_281, %add3A_456 : i32
        %get3A_458 = arith.index_cast %add3A_455 : i32 to index
        %get3A_459 = arith.index_cast %add3A_457 : i32 to index
        %get3A_460 = tpu.vector_load %arg16[%get3A_458, %get3A_459] {strides = array<i32>} : memref<640x128xf32, #tpu.memory_space<vmem>>, vector<1x16xf32>,
        %get3A_461 = vector.shape_cast %get3A_460 : vector<1x16xf32> to vector<16xf32>
        %add3A_462 = arith.addf %add3A_451, %get3A_461 : vector<16xf32>
        %mul3A_463 = arith.constant 20 : i32
        %mul3A_464 = arith.muli %scan3A_231, %mul3A_463 : i32
        %add3A_465 = arith.constant 15 : i32
        %add3A_466 = arith.addi %mul3A_464, %add3A_465 : i32
        %add3A_467 = arith.constant 0 : i32
        %add3A_468 = arith.addi %squeeze3A_283, %add3A_467 : i32
        %get3A_469 = arith.index_cast %add3A_466 : i32 to index
        %get3A_470 = arith.index_cast %add3A_468 : i32 to index
        %get3A_471 = tpu.vector_load %arg16[%get3A_469, %get3A_470] {strides = array<i32>} : memref<640x128xf32, #tpu.memory_space<vmem>>, vector<1x16xf32>,
        %get3A_472 = vector.shape_cast %get3A_471 : vector<1x16xf32> to vector<16xf32>
        %add3A_473 = arith.addf %add3A_462, %get3A_472 : vector<16xf32>
        %mul3A_474 = arith.constant 20 : i32
        %mul3A_475 = arith.muli %scan3A_231, %mul3A_474 : i32
        %add3A_476 = arith.constant 16 : i32
        %add3A_477 = arith.addi %mul3A_475, %add3A_476 : i32
        %add3A_478 = arith.constant 0 : i32
        %add3A_479 = arith.addi %squeeze3A_285, %add3A_478 : i32
        %get3A_480 = arith.index_cast %add3A_477 : i32 to index
        %get3A_481 = arith.index_cast %add3A_479 : i32 to index
        %get3A_482 = tpu.vector_load %arg16[%get3A_480, %get3A_481] {strides = array<i32>} : memref<640x128xf32, #tpu.memory_space<vmem>>, vector<1x16xf32>,
        %get3A_483 = vector.shape_cast %get3A_482 : vector<1x16xf32> to vector<16xf32>
        %add3A_484 = arith.addf %add3A_473, %get3A_483 : vector<16xf32>
        %mul3A_485 = arith.constant 20 : i32
        %mul3A_486 = arith.muli %scan3A_231, %mul3A_485 : i32
        %add3A_487 = arith.constant 17 : i32
        %add3A_488 = arith.addi %mul3A_486, %add3A_487 : i32
        %add3A_489 = arith.constant 0 : i32
        %add3A_490 = arith.addi %squeeze3A_287, %add3A_489 : i32
        %get3A_491 = arith.index_cast %add3A_488 : i32 to index
        %get3A_492 = arith.index_cast %add3A_490 : i32 to index
        %get3A_493 = tpu.vector_load %arg16[%get3A_491, %get3A_492] {strides = array<i32>} : memref<640x128xf32, #tpu.memory_space<vmem>>, vector<1x16xf32>,
        %get3A_494 = vector.shape_cast %get3A_493 : vector<1x16xf32> to vector<16xf32>
        %add3A_495 = arith.addf %add3A_484, %get3A_494 : vector<16xf32>
        %mul3A_496 = arith.constant 20 : i32
        %mul3A_497 = arith.muli %scan3A_231, %mul3A_496 : i32
        %add3A_498 = arith.constant 18 : i32
        %add3A_499 = arith.addi %mul3A_497, %add3A_498 : i32
        %add3A_500 = arith.constant 0 : i32
        %add3A_501 = arith.addi %squeeze3A_289, %add3A_500 : i32
        %get3A_502 = arith.index_cast %add3A_499 : i32 to index
        %get3A_503 = arith.index_cast %add3A_501 : i32 to index
        %get3A_504 = tpu.vector_load %arg16[%get3A_502, %get3A_503] {strides = array<i32>} : memref<640x128xf32, #tpu.memory_space<vmem>>, vector<1x16xf32>,
        %get3A_505 = vector.shape_cast %get3A_504 : vector<1x16xf32> to vector<16xf32>
        %add3A_506 = arith.addf %add3A_495, %get3A_505 : vector<16xf32>
        %mul3A_507 = arith.constant 20 : i32
        %mul3A_508 = arith.muli %scan3A_231, %mul3A_507 : i32
        %add3A_509 = arith.constant 19 : i32
        %add3A_510 = arith.addi %mul3A_508, %add3A_509 : i32
        %add3A_511 = arith.constant 0 : i32
        %add3A_512 = arith.addi %squeeze3A_291, %add3A_511 : i32
        %get3A_513 = arith.index_cast %add3A_510 : i32 to index
        %get3A_514 = arith.index_cast %add3A_512 : i32 to index
        %get3A_515 = tpu.vector_load %arg16[%get3A_513, %get3A_514] {strides = array<i32>} : memref<640x128xf32, #tpu.memory_space<vmem>>, vector<1x16xf32>,
        %get3A_516 = vector.shape_cast %get3A_515 : vector<1x16xf32> to vector<16xf32>
        %add3A_517 = arith.addf %add3A_506, %get3A_516 : vector<16xf32>
        %swap3A_518 = arith.index_cast %scan3A_231 : i32 to index
        %swap3A_519 = arith.constant 0 : index
        %swap3A_520 = tpu.vector_load %arg19[%swap3A_518, %swap3A_519] {strides = array<i32>} : memref<32x64xf32, #tpu.memory_space<vmem>>, vector<1x16xf32>,
        %swap3A_521 = vector.shape_cast %swap3A_520 : vector<1x16xf32> to vector<16xf32>
        %swap3A_522 = vector.shape_cast %add3A_517 : vector<16xf32> to vector<1x16xf32>
        tpu.vector_store %arg19[%swap3A_518, %swap3A_519], %swap3A_522 {strides = array<i32>} : memref<32x64xf32, #tpu.memory_space<vmem>>, vector<1x16xf32>,
        %add3A_523 = arith.constant 0 : i32
        %add3A_524 = arith.addi %squeeze3A_239, %add3A_523 : i32
        %get3A_525 = arith.index_cast %scan3A_231 : i32 to index
        %get3A_526 = arith.index_cast %add3A_524 : i32 to index
        %get3A_527 = tpu.vector_load %arg18[%get3A_525, %get3A_526] {strides = array<i32>} : memref<32x128xf32, #tpu.memory_space<vmem>>, vector<1x16xf32>,
        %get3A_528 = vector.shape_cast %get3A_527 : vector<1x16xf32> to vector<16xf32>
        %swap3A_529 = arith.index_cast %scan3A_231 : i32 to index
        %swap3A_530 = arith.constant 0 : index
        %swap3A_531 = tpu.vector_load %arg20[%swap3A_529, %swap3A_530] {strides = array<i32>} : memref<32x64xf32, #tpu.memory_space<vmem>>, vector<1x16xf32>,
        %swap3A_532 = vector.shape_cast %swap3A_531 : vector<1x16xf32> to vector<16xf32>
        %swap3A_533 = vector.shape_cast %get3A_528 : vector<16xf32> to vector<1x16xf32>
        tpu.vector_store %arg20[%swap3A_529, %swap3A_530], %swap3A_533 {strides = array<i32>} : memref<32x64xf32, #tpu.memory_space<vmem>>, vector<1x16xf32>,
        %add3A_534 = arith.constant 16 : i32
        %add3A_535 = arith.addi %squeeze3A, %add3A_534 : i32
        %get3A_536 = arith.index_cast %scan3A_231 : i32 to index
        %get3A_537 = arith.index_cast %add3A_535 : i32 to index
        %get3A_538 = tpu.vector_load %arg17[%get3A_536, %get3A_537] {strides = array<i32>} : memref<32x128xf32, #tpu.memory_space<vmem>>, vector<1x16xf32>,
        %get3A_539 = vector.shape_cast %get3A_538 : vector<1x16xf32> to vector<16xf32>
        %mul3A_540 = arith.constant 20 : i32
        %mul3A_541 = arith.muli %scan3A_231, %mul3A_540 : i32
        %add3A_542 = arith.constant 0 : i32
        %add3A_543 = arith.addi %mul3A_541, %add3A_542 : i32
        %add3A_544 = arith.constant 16 : i32
        %add3A_545 = arith.addi %squeeze3A_253, %add3A_544 : i32
        %get3A_546 = arith.index_cast %add3A_543 : i32 to index
        %get3A_547 = arith.index_cast %add3A_545 : i32 to index
        %get3A_548 = tpu.vector_load %arg16[%get3A_546, %get3A_547] {strides = array<i32>} : memref<640x128xf32, #tpu.memory_space<vmem>>, vector<1x16xf32>,
        %get3A_549 = vector.shape_cast %get3A_548 : vector<1x16xf32> to vector<16xf32>
        %add3A_550 = arith.addf %get3A_539, %get3A_549 : vector<16xf32>
        %mul3A_551 = arith.constant 20 : i32
        %mul3A_552 = arith.muli %scan3A_231, %mul3A_551 : i32
        %add3A_553 = arith.constant 1 : i32
        %add3A_554 = arith.addi %mul3A_552, %add3A_553 : i32
        %add3A_555 = arith.constant 16 : i32
        %add3A_556 = arith.addi %squeeze3A_255, %add3A_555 : i32
        %get3A_557 = arith.index_cast %add3A_554 : i32 to index
        %get3A_558 = arith.index_cast %add3A_556 : i32 to index
        %get3A_559 = tpu.vector_load %arg16[%get3A_557, %get3A_558] {strides = array<i32>} : memref<640x128xf32, #tpu.memory_space<vmem>>, vector<1x16xf32>,
        %get3A_560 = vector.shape_cast %get3A_559 : vector<1x16xf32> to vector<16xf32>
        %add3A_561 = arith.addf %add3A_550, %get3A_560 : vector<16xf32>
        %mul3A_562 = arith.constant 20 : i32
        %mul3A_563 = arith.muli %scan3A_231, %mul3A_562 : i32
        %add3A_564 = arith.constant 2 : i32
        %add3A_565 = arith.addi %mul3A_563, %add3A_564 : i32
        %add3A_566 = arith.constant 16 : i32
        %add3A_567 = arith.addi %squeeze3A_257, %add3A_566 : i32
        %get3A_568 = arith.index_cast %add3A_565 : i32 to index
        %get3A_569 = arith.index_cast %add3A_567 : i32 to index
        %get3A_570 = tpu.vector_load %arg16[%get3A_568, %get3A_569] {strides = array<i32>} : memref<640x128xf32, #tpu.memory_space<vmem>>, vector<1x16xf32>,
        %get3A_571 = vector.shape_cast %get3A_570 : vector<1x16xf32> to vector<16xf32>
        %add3A_572 = arith.addf %add3A_561, %get3A_571 : vector<16xf32>
        %mul3A_573 = arith.constant 20 : i32
        %mul3A_574 = arith.muli %scan3A_231, %mul3A_573 : i32
        %add3A_575 = arith.constant 3 : i32
        %add3A_576 = arith.addi %mul3A_574, %add3A_575 : i32
        %add3A_577 = arith.constant 16 : i32
        %add3A_578 = arith.addi %squeeze3A_259, %add3A_577 : i32
        %get3A_579 = arith.index_cast %add3A_576 : i32 to index
        %get3A_580 = arith.index_cast %add3A_578 : i32 to index
        %get3A_581 = tpu.vector_load %arg16[%get3A_579, %get3A_580] {strides = array<i32>} : memref<640x128xf32, #tpu.memory_space<vmem>>, vector<1x16xf32>,
        %get3A_582 = vector.shape_cast %get3A_581 : vector<1x16xf32> to vector<16xf32>
        %add3A_583 = arith.addf %add3A_572, %get3A_582 : vector<16xf32>
        %mul3A_584 = arith.constant 20 : i32
        %mul3A_585 = arith.muli %scan3A_231, %mul3A_584 : i32
        %add3A_586 = arith.constant 4 : i32
        %add3A_587 = arith.addi %mul3A_585, %add3A_586 : i32
        %add3A_588 = arith.constant 16 : i32
        %add3A_589 = arith.addi %squeeze3A_261, %add3A_588 : i32
        %get3A_590 = arith.index_cast %add3A_587 : i32 to index
        %get3A_591 = arith.index_cast %add3A_589 : i32 to index
        %get3A_592 = tpu.vector_load %arg16[%get3A_590, %get3A_591] {strides = array<i32>} : memref<640x128xf32, #tpu.memory_space<vmem>>, vector<1x16xf32>,
        %get3A_593 = vector.shape_cast %get3A_592 : vector<1x16xf32> to vector<16xf32>
        %add3A_594 = arith.addf %add3A_583, %get3A_593 : vector<16xf32>
        %mul3A_595 = arith.constant 20 : i32
        %mul3A_596 = arith.muli %scan3A_231, %mul3A_595 : i32
        %add3A_597 = arith.constant 5 : i32
        %add3A_598 = arith.addi %mul3A_596, %add3A_597 : i32
        %add3A_599 = arith.constant 16 : i32
        %add3A_600 = arith.addi %squeeze3A_263, %add3A_599 : i32
        %get3A_601 = arith.index_cast %add3A_598 : i32 to index
        %get3A_602 = arith.index_cast %add3A_600 : i32 to index
        %get3A_603 = tpu.vector_load %arg16[%get3A_601, %get3A_602] {strides = array<i32>} : memref<640x128xf32, #tpu.memory_space<vmem>>, vector<1x16xf32>,
        %get3A_604 = vector.shape_cast %get3A_603 : vector<1x16xf32> to vector<16xf32>
        %add3A_605 = arith.addf %add3A_594, %get3A_604 : vector<16xf32>
        %mul3A_606 = arith.constant 20 : i32
        %mul3A_607 = arith.muli %scan3A_231, %mul3A_606 : i32
        %add3A_608 = arith.constant 6 : i32
        %add3A_609 = arith.addi %mul3A_607, %add3A_608 : i32
        %add3A_610 = arith.constant 16 : i32
        %add3A_611 = arith.addi %squeeze3A_265, %add3A_610 : i32
        %get3A_612 = arith.index_cast %add3A_609 : i32 to index
        %get3A_613 = arith.index_cast %add3A_611 : i32 to index
        %get3A_614 = tpu.vector_load %arg16[%get3A_612, %get3A_613] {strides = array<i32>} : memref<640x128xf32, #tpu.memory_space<vmem>>, vector<1x16xf32>,
        %get3A_615 = vector.shape_cast %get3A_614 : vector<1x16xf32> to vector<16xf32>
        %add3A_616 = arith.addf %add3A_605, %get3A_615 : vector<16xf32>
        %mul3A_617 = arith.constant 20 : i32
        %mul3A_618 = arith.muli %scan3A_231, %mul3A_617 : i32
        %add3A_619 = arith.constant 7 : i32
        %add3A_620 = arith.addi %mul3A_618, %add3A_619 : i32
        %add3A_621 = arith.constant 16 : i32
        %add3A_622 = arith.addi %squeeze3A_267, %add3A_621 : i32
        %get3A_623 = arith.index_cast %add3A_620 : i32 to index
        %get3A_624 = arith.index_cast %add3A_622 : i32 to index
        %get3A_625 = tpu.vector_load %arg16[%get3A_623, %get3A_624] {strides = array<i32>} : memref<640x128xf32, #tpu.memory_space<vmem>>, vector<1x16xf32>,
        %get3A_626 = vector.shape_cast %get3A_625 : vector<1x16xf32> to vector<16xf32>
        %add3A_627 = arith.addf %add3A_616, %get3A_626 : vector<16xf32>
        %mul3A_628 = arith.constant 20 : i32
        %mul3A_629 = arith.muli %scan3A_231, %mul3A_628 : i32
        %add3A_630 = arith.constant 8 : i32
        %add3A_631 = arith.addi %mul3A_629, %add3A_630 : i32
        %add3A_632 = arith.constant 16 : i32
        %add3A_633 = arith.addi %squeeze3A_269, %add3A_632 : i32
        %get3A_634 = arith.index_cast %add3A_631 : i32 to index
        %get3A_635 = arith.index_cast %add3A_633 : i32 to index
        %get3A_636 = tpu.vector_load %arg16[%get3A_634, %get3A_635] {strides = array<i32>} : memref<640x128xf32, #tpu.memory_space<vmem>>, vector<1x16xf32>,
        %get3A_637 = vector.shape_cast %get3A_636 : vector<1x16xf32> to vector<16xf32>
        %add3A_638 = arith.addf %add3A_627, %get3A_637 : vector<16xf32>
        %mul3A_639 = arith.constant 20 : i32
        %mul3A_640 = arith.muli %scan3A_231, %mul3A_639 : i32
        %add3A_641 = arith.constant 9 : i32
        %add3A_642 = arith.addi %mul3A_640, %add3A_641 : i32
        %add3A_643 = arith.constant 16 : i32
        %add3A_644 = arith.addi %squeeze3A_271, %add3A_643 : i32
        %get3A_645 = arith.index_cast %add3A_642 : i32 to index
        %get3A_646 = arith.index_cast %add3A_644 : i32 to index
        %get3A_647 = tpu.vector_load %arg16[%get3A_645, %get3A_646] {strides = array<i32>} : memref<640x128xf32, #tpu.memory_space<vmem>>, vector<1x16xf32>,
        %get3A_648 = vector.shape_cast %get3A_647 : vector<1x16xf32> to vector<16xf32>
        %add3A_649 = arith.addf %add3A_638, %get3A_648 : vector<16xf32>
        %mul3A_650 = arith.constant 20 : i32
        %mul3A_651 = arith.muli %scan3A_231, %mul3A_650 : i32
        %add3A_652 = arith.constant 10 : i32
        %add3A_653 = arith.addi %mul3A_651, %add3A_652 : i32
        %add3A_654 = arith.constant 16 : i32
        %add3A_655 = arith.addi %squeeze3A_273, %add3A_654 : i32
        %get3A_656 = arith.index_cast %add3A_653 : i32 to index
        %get3A_657 = arith.index_cast %add3A_655 : i32 to index
        %get3A_658 = tpu.vector_load %arg16[%get3A_656, %get3A_657] {strides = array<i32>} : memref<640x128xf32, #tpu.memory_space<vmem>>, vector<1x16xf32>,
        %get3A_659 = vector.shape_cast %get3A_658 : vector<1x16xf32> to vector<16xf32>
        %add3A_660 = arith.addf %add3A_649, %get3A_659 : vector<16xf32>
        %mul3A_661 = arith.constant 20 : i32
        %mul3A_662 = arith.muli %scan3A_231, %mul3A_661 : i32
        %add3A_663 = arith.constant 11 : i32
        %add3A_664 = arith.addi %mul3A_662, %add3A_663 : i32
        %add3A_665 = arith.constant 16 : i32
        %add3A_666 = arith.addi %squeeze3A_275, %add3A_665 : i32
        %get3A_667 = arith.index_cast %add3A_664 : i32 to index
        %get3A_668 = arith.index_cast %add3A_666 : i32 to index
        %get3A_669 = tpu.vector_load %arg16[%get3A_667, %get3A_668] {strides = array<i32>} : memref<640x128xf32, #tpu.memory_space<vmem>>, vector<1x16xf32>,
        %get3A_670 = vector.shape_cast %get3A_669 : vector<1x16xf32> to vector<16xf32>
        %add3A_671 = arith.addf %add3A_660, %get3A_670 : vector<16xf32>
        %mul3A_672 = arith.constant 20 : i32
        %mul3A_673 = arith.muli %scan3A_231, %mul3A_672 : i32
        %add3A_674 = arith.constant 12 : i32
        %add3A_675 = arith.addi %mul3A_673, %add3A_674 : i32
        %add3A_676 = arith.constant 16 : i32
        %add3A_677 = arith.addi %squeeze3A_277, %add3A_676 : i32
        %get3A_678 = arith.index_cast %add3A_675 : i32 to index
        %get3A_679 = arith.index_cast %add3A_677 : i32 to index
        %get3A_680 = tpu.vector_load %arg16[%get3A_678, %get3A_679] {strides = array<i32>} : memref<640x128xf32, #tpu.memory_space<vmem>>, vector<1x16xf32>,
        %get3A_681 = vector.shape_cast %get3A_680 : vector<1x16xf32> to vector<16xf32>
        %add3A_682 = arith.addf %add3A_671, %get3A_681 : vector<16xf32>
        %mul3A_683 = arith.constant 20 : i32
        %mul3A_684 = arith.muli %scan3A_231, %mul3A_683 : i32
        %add3A_685 = arith.constant 13 : i32
        %add3A_686 = arith.addi %mul3A_684, %add3A_685 : i32
        %add3A_687 = arith.constant 16 : i32
        %add3A_688 = arith.addi %squeeze3A_279, %add3A_687 : i32
        %get3A_689 = arith.index_cast %add3A_686 : i32 to index
        %get3A_690 = arith.index_cast %add3A_688 : i32 to index
        %get3A_691 = tpu.vector_load %arg16[%get3A_689, %get3A_690] {strides = array<i32>} : memref<640x128xf32, #tpu.memory_space<vmem>>, vector<1x16xf32>,
        %get3A_692 = vector.shape_cast %get3A_691 : vector<1x16xf32> to vector<16xf32>
        %add3A_693 = arith.addf %add3A_682, %get3A_692 : vector<16xf32>
        %mul3A_694 = arith.constant 20 : i32
        %mul3A_695 = arith.muli %scan3A_231, %mul3A_694 : i32
        %add3A_696 = arith.constant 14 : i32
        %add3A_697 = arith.addi %mul3A_695, %add3A_696 : i32
        %add3A_698 = arith.constant 16 : i32
        %add3A_699 = arith.addi %squeeze3A_281, %add3A_698 : i32
        %get3A_700 = arith.index_cast %add3A_697 : i32 to index
        %get3A_701 = arith.index_cast %add3A_699 : i32 to index
        %get3A_702 = tpu.vector_load %arg16[%get3A_700, %get3A_701] {strides = array<i32>} : memref<640x128xf32, #tpu.memory_space<vmem>>, vector<1x16xf32>,
        %get3A_703 = vector.shape_cast %get3A_702 : vector<1x16xf32> to vector<16xf32>
        %add3A_704 = arith.addf %add3A_693, %get3A_703 : vector<16xf32>
        %mul3A_705 = arith.constant 20 : i32
        %mul3A_706 = arith.muli %scan3A_231, %mul3A_705 : i32
        %add3A_707 = arith.constant 15 : i32
        %add3A_708 = arith.addi %mul3A_706, %add3A_707 : i32
        %add3A_709 = arith.constant 16 : i32
        %add3A_710 = arith.addi %squeeze3A_283, %add3A_709 : i32
        %get3A_711 = arith.index_cast %add3A_708 : i32 to index
        %get3A_712 = arith.index_cast %add3A_710 : i32 to index
        %get3A_713 = tpu.vector_load %arg16[%get3A_711, %get3A_712] {strides = array<i32>} : memref<640x128xf32, #tpu.memory_space<vmem>>, vector<1x16xf32>,
        %get3A_714 = vector.shape_cast %get3A_713 : vector<1x16xf32> to vector<16xf32>
        %add3A_715 = arith.addf %add3A_704, %get3A_714 : vector<16xf32>
        %mul3A_716 = arith.constant 20 : i32
        %mul3A_717 = arith.muli %scan3A_231, %mul3A_716 : i32
        %add3A_718 = arith.constant 16 : i32
        %add3A_719 = arith.addi %mul3A_717, %add3A_718 : i32
        %add3A_720 = arith.constant 16 : i32
        %add3A_721 = arith.addi %squeeze3A_285, %add3A_720 : i32
        %get3A_722 = arith.index_cast %add3A_719 : i32 to index
        %get3A_723 = arith.index_cast %add3A_721 : i32 to index
        %get3A_724 = tpu.vector_load %arg16[%get3A_722, %get3A_723] {strides = array<i32>} : memref<640x128xf32, #tpu.memory_space<vmem>>, vector<1x16xf32>,
        %get3A_725 = vector.shape_cast %get3A_724 : vector<1x16xf32> to vector<16xf32>
        %add3A_726 = arith.addf %add3A_715, %get3A_725 : vector<16xf32>
        %mul3A_727 = arith.constant 20 : i32
        %mul3A_728 = arith.muli %scan3A_231, %mul3A_727 : i32
        %add3A_729 = arith.constant 17 : i32
        %add3A_730 = arith.addi %mul3A_728, %add3A_729 : i32
        %add3A_731 = arith.constant 16 : i32
        %add3A_732 = arith.addi %squeeze3A_287, %add3A_731 : i32
        %get3A_733 = arith.index_cast %add3A_730 : i32 to index
        %get3A_734 = arith.index_cast %add3A_732 : i32 to index
        %get3A_735 = tpu.vector_load %arg16[%get3A_733, %get3A_734] {strides = array<i32>} : memref<640x128xf32, #tpu.memory_space<vmem>>, vector<1x16xf32>,
        %get3A_736 = vector.shape_cast %get3A_735 : vector<1x16xf32> to vector<16xf32>
        %add3A_737 = arith.addf %add3A_726, %get3A_736 : vector<16xf32>
        %mul3A_738 = arith.constant 20 : i32
        %mul3A_739 = arith.muli %scan3A_231, %mul3A_738 : i32
        %add3A_740 = arith.constant 18 : i32
        %add3A_741 = arith.addi %mul3A_739, %add3A_740 : i32
        %add3A_742 = arith.constant 16 : i32
        %add3A_743 = arith.addi %squeeze3A_289, %add3A_742 : i32
        %get3A_744 = arith.index_cast %add3A_741 : i32 to index
        %get3A_745 = arith.index_cast %add3A_743 : i32 to index
        %get3A_746 = tpu.vector_load %arg16[%get3A_744, %get3A_745] {strides = array<i32>} : memref<640x128xf32, #tpu.memory_space<vmem>>, vector<1x16xf32>,
        %get3A_747 = vector.shape_cast %get3A_746 : vector<1x16xf32> to vector<16xf32>
        %add3A_748 = arith.addf %add3A_737, %get3A_747 : vector<16xf32>
        %mul3A_749 = arith.constant 20 : i32
        %mul3A_750 = arith.muli %scan3A_231, %mul3A_749 : i32
        %add3A_751 = arith.constant 19 : i32
        %add3A_752 = arith.addi %mul3A_750, %add3A_751 : i32
        %add3A_753 = arith.constant 16 : i32
        %add3A_754 = arith.addi %squeeze3A_291, %add3A_753 : i32
        %get3A_755 = arith.index_cast %add3A_752 : i32 to index
        %get3A_756 = arith.index_cast %add3A_754 : i32 to index
        %get3A_757 = tpu.vector_load %arg16[%get3A_755, %get3A_756] {strides = array<i32>} : memref<640x128xf32, #tpu.memory_space<vmem>>, vector<1x16xf32>,
        %get3A_758 = vector.shape_cast %get3A_757 : vector<1x16xf32> to vector<16xf32>
        %add3A_759 = arith.addf %add3A_748, %get3A_758 : vector<16xf32>
        %swap3A_760 = arith.index_cast %scan3A_231 : i32 to index
        %swap3A_761 = arith.constant 16 : index
        %swap3A_762 = tpu.vector_load %arg19[%swap3A_760, %swap3A_761] {strides = array<i32>} : memref<32x64xf32, #tpu.memory_space<vmem>>, vector<1x16xf32>,
        %swap3A_763 = vector.shape_cast %swap3A_762 : vector<1x16xf32> to vector<16xf32>
        %swap3A_764 = vector.shape_cast %add3A_759 : vector<16xf32> to vector<1x16xf32>
        tpu.vector_store %arg19[%swap3A_760, %swap3A_761], %swap3A_764 {strides = array<i32>} : memref<32x64xf32, #tpu.memory_space<vmem>>, vector<1x16xf32>,
        %add3A_765 = arith.constant 16 : i32
        %add3A_766 = arith.addi %squeeze3A_239, %add3A_765 : i32
        %get3A_767 = arith.index_cast %scan3A_231 : i32 to index
        %get3A_768 = arith.index_cast %add3A_766 : i32 to index
        %get3A_769 = tpu.vector_load %arg18[%get3A_767, %get3A_768] {strides = array<i32>} : memref<32x128xf32, #tpu.memory_space<vmem>>, vector<1x16xf32>,
        %get3A_770 = vector.shape_cast %get3A_769 : vector<1x16xf32> to vector<16xf32>
        %swap3A_771 = arith.index_cast %scan3A_231 : i32 to index
        %swap3A_772 = arith.constant 16 : index
        %swap3A_773 = tpu.vector_load %arg20[%swap3A_771, %swap3A_772] {strides = array<i32>} : memref<32x64xf32, #tpu.memory_space<vmem>>, vector<1x16xf32>,
        %swap3A_774 = vector.shape_cast %swap3A_773 : vector<1x16xf32> to vector<16xf32>
        %swap3A_775 = vector.shape_cast %get3A_770 : vector<16xf32> to vector<1x16xf32>
        tpu.vector_store %arg20[%swap3A_771, %swap3A_772], %swap3A_775 {strides = array<i32>} : memref<32x64xf32, #tpu.memory_space<vmem>>, vector<1x16xf32>,
        %add3A_776 = arith.constant 32 : i32
        %add3A_777 = arith.addi %squeeze3A, %add3A_776 : i32
        %get3A_778 = arith.index_cast %scan3A_231 : i32 to index
        %get3A_779 = arith.index_cast %add3A_777 : i32 to index
        %get3A_780 = tpu.vector_load %arg17[%get3A_778, %get3A_779] {strides = array<i32>} : memref<32x128xf32, #tpu.memory_space<vmem>>, vector<1x16xf32>,
        %get3A_781 = vector.shape_cast %get3A_780 : vector<1x16xf32> to vector<16xf32>
        %mul3A_782 = arith.constant 20 : i32
        %mul3A_783 = arith.muli %scan3A_231, %mul3A_782 : i32
        %add3A_784 = arith.constant 0 : i32
        %add3A_785 = arith.addi %mul3A_783, %add3A_784 : i32
        %add3A_786 = arith.constant 32 : i32
        %add3A_787 = arith.addi %squeeze3A_253, %add3A_786 : i32
        %get3A_788 = arith.index_cast %add3A_785 : i32 to index
        %get3A_789 = arith.index_cast %add3A_787 : i32 to index
        %get3A_790 = tpu.vector_load %arg16[%get3A_788, %get3A_789] {strides = array<i32>} : memref<640x128xf32, #tpu.memory_space<vmem>>, vector<1x16xf32>,
        %get3A_791 = vector.shape_cast %get3A_790 : vector<1x16xf32> to vector<16xf32>
        %add3A_792 = arith.addf %get3A_781, %get3A_791 : vector<16xf32>
        %mul3A_793 = arith.constant 20 : i32
        %mul3A_794 = arith.muli %scan3A_231, %mul3A_793 : i32
        %add3A_795 = arith.constant 1 : i32
        %add3A_796 = arith.addi %mul3A_794, %add3A_795 : i32
        %add3A_797 = arith.constant 32 : i32
        %add3A_798 = arith.addi %squeeze3A_255, %add3A_797 : i32
        %get3A_799 = arith.index_cast %add3A_796 : i32 to index
        %get3A_800 = arith.index_cast %add3A_798 : i32 to index
        %get3A_801 = tpu.vector_load %arg16[%get3A_799, %get3A_800] {strides = array<i32>} : memref<640x128xf32, #tpu.memory_space<vmem>>, vector<1x16xf32>,
        %get3A_802 = vector.shape_cast %get3A_801 : vector<1x16xf32> to vector<16xf32>
        %add3A_803 = arith.addf %add3A_792, %get3A_802 : vector<16xf32>
        %mul3A_804 = arith.constant 20 : i32
        %mul3A_805 = arith.muli %scan3A_231, %mul3A_804 : i32
        %add3A_806 = arith.constant 2 : i32
        %add3A_807 = arith.addi %mul3A_805, %add3A_806 : i32
        %add3A_808 = arith.constant 32 : i32
        %add3A_809 = arith.addi %squeeze3A_257, %add3A_808 : i32
        %get3A_810 = arith.index_cast %add3A_807 : i32 to index
        %get3A_811 = arith.index_cast %add3A_809 : i32 to index
        %get3A_812 = tpu.vector_load %arg16[%get3A_810, %get3A_811] {strides = array<i32>} : memref<640x128xf32, #tpu.memory_space<vmem>>, vector<1x16xf32>,
        %get3A_813 = vector.shape_cast %get3A_812 : vector<1x16xf32> to vector<16xf32>
        %add3A_814 = arith.addf %add3A_803, %get3A_813 : vector<16xf32>
        %mul3A_815 = arith.constant 20 : i32
        %mul3A_816 = arith.muli %scan3A_231, %mul3A_815 : i32
        %add3A_817 = arith.constant 3 : i32
        %add3A_818 = arith.addi %mul3A_816, %add3A_817 : i32
        %add3A_819 = arith.constant 32 : i32
        %add3A_820 = arith.addi %squeeze3A_259, %add3A_819 : i32
        %get3A_821 = arith.index_cast %add3A_818 : i32 to index
        %get3A_822 = arith.index_cast %add3A_820 : i32 to index
        %get3A_823 = tpu.vector_load %arg16[%get3A_821, %get3A_822] {strides = array<i32>} : memref<640x128xf32, #tpu.memory_space<vmem>>, vector<1x16xf32>,
        %get3A_824 = vector.shape_cast %get3A_823 : vector<1x16xf32> to vector<16xf32>
        %add3A_825 = arith.addf %add3A_814, %get3A_824 : vector<16xf32>
        %mul3A_826 = arith.constant 20 : i32
        %mul3A_827 = arith.muli %scan3A_231, %mul3A_826 : i32
        %add3A_828 = arith.constant 4 : i32
        %add3A_829 = arith.addi %mul3A_827, %add3A_828 : i32
        %add3A_830 = arith.constant 32 : i32
        %add3A_831 = arith.addi %squeeze3A_261, %add3A_830 : i32
        %get3A_832 = arith.index_cast %add3A_829 : i32 to index
        %get3A_833 = arith.index_cast %add3A_831 : i32 to index
        %get3A_834 = tpu.vector_load %arg16[%get3A_832, %get3A_833] {strides = array<i32>} : memref<640x128xf32, #tpu.memory_space<vmem>>, vector<1x16xf32>,
        %get3A_835 = vector.shape_cast %get3A_834 : vector<1x16xf32> to vector<16xf32>
        %add3A_836 = arith.addf %add3A_825, %get3A_835 : vector<16xf32>
        %mul3A_837 = arith.constant 20 : i32
        %mul3A_838 = arith.muli %scan3A_231, %mul3A_837 : i32
        %add3A_839 = arith.constant 5 : i32
        %add3A_840 = arith.addi %mul3A_838, %add3A_839 : i32
        %add3A_841 = arith.constant 32 : i32
        %add3A_842 = arith.addi %squeeze3A_263, %add3A_841 : i32
        %get3A_843 = arith.index_cast %add3A_840 : i32 to index
        %get3A_844 = arith.index_cast %add3A_842 : i32 to index
        %get3A_845 = tpu.vector_load %arg16[%get3A_843, %get3A_844] {strides = array<i32>} : memref<640x128xf32, #tpu.memory_space<vmem>>, vector<1x16xf32>,
        %get3A_846 = vector.shape_cast %get3A_845 : vector<1x16xf32> to vector<16xf32>
        %add3A_847 = arith.addf %add3A_836, %get3A_846 : vector<16xf32>
        %mul3A_848 = arith.constant 20 : i32
        %mul3A_849 = arith.muli %scan3A_231, %mul3A_848 : i32
        %add3A_850 = arith.constant 6 : i32
        %add3A_851 = arith.addi %mul3A_849, %add3A_850 : i32
        %add3A_852 = arith.constant 32 : i32
        %add3A_853 = arith.addi %squeeze3A_265, %add3A_852 : i32
        %get3A_854 = arith.index_cast %add3A_851 : i32 to index
        %get3A_855 = arith.index_cast %add3A_853 : i32 to index
        %get3A_856 = tpu.vector_load %arg16[%get3A_854, %get3A_855] {strides = array<i32>} : memref<640x128xf32, #tpu.memory_space<vmem>>, vector<1x16xf32>,
        %get3A_857 = vector.shape_cast %get3A_856 : vector<1x16xf32> to vector<16xf32>
        %add3A_858 = arith.addf %add3A_847, %get3A_857 : vector<16xf32>
        %mul3A_859 = arith.constant 20 : i32
        %mul3A_860 = arith.muli %scan3A_231, %mul3A_859 : i32
        %add3A_861 = arith.constant 7 : i32
        %add3A_862 = arith.addi %mul3A_860, %add3A_861 : i32
        %add3A_863 = arith.constant 32 : i32
        %add3A_864 = arith.addi %squeeze3A_267, %add3A_863 : i32
        %get3A_865 = arith.index_cast %add3A_862 : i32 to index
        %get3A_866 = arith.index_cast %add3A_864 : i32 to index
        %get3A_867 = tpu.vector_load %arg16[%get3A_865, %get3A_866] {strides = array<i32>} : memref<640x128xf32, #tpu.memory_space<vmem>>, vector<1x16xf32>,
        %get3A_868 = vector.shape_cast %get3A_867 : vector<1x16xf32> to vector<16xf32>
        %add3A_869 = arith.addf %add3A_858, %get3A_868 : vector<16xf32>
        %mul3A_870 = arith.constant 20 : i32
        %mul3A_871 = arith.muli %scan3A_231, %mul3A_870 : i32
        %add3A_872 = arith.constant 8 : i32
        %add3A_873 = arith.addi %mul3A_871, %add3A_872 : i32
        %add3A_874 = arith.constant 32 : i32
        %add3A_875 = arith.addi %squeeze3A_269, %add3A_874 : i32
        %get3A_876 = arith.index_cast %add3A_873 : i32 to index
        %get3A_877 = arith.index_cast %add3A_875 : i32 to index
        %get3A_878 = tpu.vector_load %arg16[%get3A_876, %get3A_877] {strides = array<i32>} : memref<640x128xf32, #tpu.memory_space<vmem>>, vector<1x16xf32>,
        %get3A_879 = vector.shape_cast %get3A_878 : vector<1x16xf32> to vector<16xf32>
        %add3A_880 = arith.addf %add3A_869, %get3A_879 : vector<16xf32>
        %mul3A_881 = arith.constant 20 : i32
        %mul3A_882 = arith.muli %scan3A_231, %mul3A_881 : i32
        %add3A_883 = arith.constant 9 : i32
        %add3A_884 = arith.addi %mul3A_882, %add3A_883 : i32
        %add3A_885 = arith.constant 32 : i32
        %add3A_886 = arith.addi %squeeze3A_271, %add3A_885 : i32
        %get3A_887 = arith.index_cast %add3A_884 : i32 to index
        %get3A_888 = arith.index_cast %add3A_886 : i32 to index
        %get3A_889 = tpu.vector_load %arg16[%get3A_887, %get3A_888] {strides = array<i32>} : memref<640x128xf32, #tpu.memory_space<vmem>>, vector<1x16xf32>,
        %get3A_890 = vector.shape_cast %get3A_889 : vector<1x16xf32> to vector<16xf32>
        %add3A_891 = arith.addf %add3A_880, %get3A_890 : vector<16xf32>
        %mul3A_892 = arith.constant 20 : i32
        %mul3A_893 = arith.muli %scan3A_231, %mul3A_892 : i32
        %add3A_894 = arith.constant 10 : i32
        %add3A_895 = arith.addi %mul3A_893, %add3A_894 : i32
        %add3A_896 = arith.constant 32 : i32
        %add3A_897 = arith.addi %squeeze3A_273, %add3A_896 : i32
        %get3A_898 = arith.index_cast %add3A_895 : i32 to index
        %get3A_899 = arith.index_cast %add3A_897 : i32 to index
        %get3A_900 = tpu.vector_load %arg16[%get3A_898, %get3A_899] {strides = array<i32>} : memref<640x128xf32, #tpu.memory_space<vmem>>, vector<1x16xf32>,
        %get3A_901 = vector.shape_cast %get3A_900 : vector<1x16xf32> to vector<16xf32>
        %add3A_902 = arith.addf %add3A_891, %get3A_901 : vector<16xf32>
        %mul3A_903 = arith.constant 20 : i32
        %mul3A_904 = arith.muli %scan3A_231, %mul3A_903 : i32
        %add3A_905 = arith.constant 11 : i32
        %add3A_906 = arith.addi %mul3A_904, %add3A_905 : i32
        %add3A_907 = arith.constant 32 : i32
        %add3A_908 = arith.addi %squeeze3A_275, %add3A_907 : i32
        %get3A_909 = arith.index_cast %add3A_906 : i32 to index
        %get3A_910 = arith.index_cast %add3A_908 : i32 to index
        %get3A_911 = tpu.vector_load %arg16[%get3A_909, %get3A_910] {strides = array<i32>} : memref<640x128xf32, #tpu.memory_space<vmem>>, vector<1x16xf32>,
        %get3A_912 = vector.shape_cast %get3A_911 : vector<1x16xf32> to vector<16xf32>
        %add3A_913 = arith.addf %add3A_902, %get3A_912 : vector<16xf32>
        %mul3A_914 = arith.constant 20 : i32
        %mul3A_915 = arith.muli %scan3A_231, %mul3A_914 : i32
        %add3A_916 = arith.constant 12 : i32
        %add3A_917 = arith.addi %mul3A_915, %add3A_916 : i32
        %add3A_918 = arith.constant 32 : i32
        %add3A_919 = arith.addi %squeeze3A_277, %add3A_918 : i32
        %get3A_920 = arith.index_cast %add3A_917 : i32 to index
        %get3A_921 = arith.index_cast %add3A_919 : i32 to index
        %get3A_922 = tpu.vector_load %arg16[%get3A_920, %get3A_921] {strides = array<i32>} : memref<640x128xf32, #tpu.memory_space<vmem>>, vector<1x16xf32>,
        %get3A_923 = vector.shape_cast %get3A_922 : vector<1x16xf32> to vector<16xf32>
        %add3A_924 = arith.addf %add3A_913, %get3A_923 : vector<16xf32>
        %mul3A_925 = arith.constant 20 : i32
        %mul3A_926 = arith.muli %scan3A_231, %mul3A_925 : i32
        %add3A_927 = arith.constant 13 : i32
        %add3A_928 = arith.addi %mul3A_926, %add3A_927 : i32
        %add3A_929 = arith.constant 32 : i32
        %add3A_930 = arith.addi %squeeze3A_279, %add3A_929 : i32
        %get3A_931 = arith.index_cast %add3A_928 : i32 to index
        %get3A_932 = arith.index_cast %add3A_930 : i32 to index
        %get3A_933 = tpu.vector_load %arg16[%get3A_931, %get3A_932] {strides = array<i32>} : memref<640x128xf32, #tpu.memory_space<vmem>>, vector<1x16xf32>,
        %get3A_934 = vector.shape_cast %get3A_933 : vector<1x16xf32> to vector<16xf32>
        %add3A_935 = arith.addf %add3A_924, %get3A_934 : vector<16xf32>
        %mul3A_936 = arith.constant 20 : i32
        %mul3A_937 = arith.muli %scan3A_231, %mul3A_936 : i32
        %add3A_938 = arith.constant 14 : i32
        %add3A_939 = arith.addi %mul3A_937, %add3A_938 : i32
        %add3A_940 = arith.constant 32 : i32
        %add3A_941 = arith.addi %squeeze3A_281, %add3A_940 : i32
        %get3A_942 = arith.index_cast %add3A_939 : i32 to index
        %get3A_943 = arith.index_cast %add3A_941 : i32 to index
        %get3A_944 = tpu.vector_load %arg16[%get3A_942, %get3A_943] {strides = array<i32>} : memref<640x128xf32, #tpu.memory_space<vmem>>, vector<1x16xf32>,
        %get3A_945 = vector.shape_cast %get3A_944 : vector<1x16xf32> to vector<16xf32>
        %add3A_946 = arith.addf %add3A_935, %get3A_945 : vector<16xf32>
        %mul3A_947 = arith.constant 20 : i32
        %mul3A_948 = arith.muli %scan3A_231, %mul3A_947 : i32
        %add3A_949 = arith.constant 15 : i32
        %add3A_950 = arith.addi %mul3A_948, %add3A_949 : i32
        %add3A_951 = arith.constant 32 : i32
        %add3A_952 = arith.addi %squeeze3A_283, %add3A_951 : i32
        %get3A_953 = arith.index_cast %add3A_950 : i32 to index
        %get3A_954 = arith.index_cast %add3A_952 : i32 to index
        %get3A_955 = tpu.vector_load %arg16[%get3A_953, %get3A_954] {strides = array<i32>} : memref<640x128xf32, #tpu.memory_space<vmem>>, vector<1x16xf32>,
        %get3A_956 = vector.shape_cast %get3A_955 : vector<1x16xf32> to vector<16xf32>
        %add3A_957 = arith.addf %add3A_946, %get3A_956 : vector<16xf32>
        %mul3A_958 = arith.constant 20 : i32
        %mul3A_959 = arith.muli %scan3A_231, %mul3A_958 : i32
        %add3A_960 = arith.constant 16 : i32
        %add3A_961 = arith.addi %mul3A_959, %add3A_960 : i32
        %add3A_962 = arith.constant 32 : i32
        %add3A_963 = arith.addi %squeeze3A_285, %add3A_962 : i32
        %get3A_964 = arith.index_cast %add3A_961 : i32 to index
        %get3A_965 = arith.index_cast %add3A_963 : i32 to index
        %get3A_966 = tpu.vector_load %arg16[%get3A_964, %get3A_965] {strides = array<i32>} : memref<640x128xf32, #tpu.memory_space<vmem>>, vector<1x16xf32>,
        %get3A_967 = vector.shape_cast %get3A_966 : vector<1x16xf32> to vector<16xf32>
        %add3A_968 = arith.addf %add3A_957, %get3A_967 : vector<16xf32>
        %mul3A_969 = arith.constant 20 : i32
        %mul3A_970 = arith.muli %scan3A_231, %mul3A_969 : i32
        %add3A_971 = arith.constant 17 : i32
        %add3A_972 = arith.addi %mul3A_970, %add3A_971 : i32
        %add3A_973 = arith.constant 32 : i32
        %add3A_974 = arith.addi %squeeze3A_287, %add3A_973 : i32
        %get3A_975 = arith.index_cast %add3A_972 : i32 to index
        %get3A_976 = arith.index_cast %add3A_974 : i32 to index
        %get3A_977 = tpu.vector_load %arg16[%get3A_975, %get3A_976] {strides = array<i32>} : memref<640x128xf32, #tpu.memory_space<vmem>>, vector<1x16xf32>,
        %get3A_978 = vector.shape_cast %get3A_977 : vector<1x16xf32> to vector<16xf32>
        %add3A_979 = arith.addf %add3A_968, %get3A_978 : vector<16xf32>
        %mul3A_980 = arith.constant 20 : i32
        %mul3A_981 = arith.muli %scan3A_231, %mul3A_980 : i32
        %add3A_982 = arith.constant 18 : i32
        %add3A_983 = arith.addi %mul3A_981, %add3A_982 : i32
        %add3A_984 = arith.constant 32 : i32
        %add3A_985 = arith.addi %squeeze3A_289, %add3A_984 : i32
        %get3A_986 = arith.index_cast %add3A_983 : i32 to index
        %get3A_987 = arith.index_cast %add3A_985 : i32 to index
        %get3A_988 = tpu.vector_load %arg16[%get3A_986, %get3A_987] {strides = array<i32>} : memref<640x128xf32, #tpu.memory_space<vmem>>, vector<1x16xf32>,
        %get3A_989 = vector.shape_cast %get3A_988 : vector<1x16xf32> to vector<16xf32>
        %add3A_990 = arith.addf %add3A_979, %get3A_989 : vector<16xf32>
        %mul3A_991 = arith.constant 20 : i32
        %mul3A_992 = arith.muli %scan3A_231, %mul3A_991 : i32
        %add3A_993 = arith.constant 19 : i32
        %add3A_994 = arith.addi %mul3A_992, %add3A_993 : i32
        %add3A_995 = arith.constant 32 : i32
        %add3A_996 = arith.addi %squeeze3A_291, %add3A_995 : i32
        %get3A_997 = arith.index_cast %add3A_994 : i32 to index
        %get3A_998 = arith.index_cast %add3A_996 : i32 to index
        %get3A_999 = tpu.vector_load %arg16[%get3A_997, %get3A_998] {strides = array<i32>} : memref<640x128xf32, #tpu.memory_space<vmem>>, vector<1x16xf32>,
        %get3A_1000 = vector.shape_cast %get3A_999 : vector<1x16xf32> to vector<16xf32>
        %add3A_1001 = arith.addf %add3A_990, %get3A_1000 : vector<16xf32>
        %swap3A_1002 = arith.index_cast %scan3A_231 : i32 to index
        %swap3A_1003 = arith.constant 32 : index
        %swap3A_1004 = tpu.vector_load %arg19[%swap3A_1002, %swap3A_1003] {strides = array<i32>} : memref<32x64xf32, #tpu.memory_space<vmem>>, vector<1x16xf32>,
        %swap3A_1005 = vector.shape_cast %swap3A_1004 : vector<1x16xf32> to vector<16xf32>
        %swap3A_1006 = vector.shape_cast %add3A_1001 : vector<16xf32> to vector<1x16xf32>
        tpu.vector_store %arg19[%swap3A_1002, %swap3A_1003], %swap3A_1006 {strides = array<i32>} : memref<32x64xf32, #tpu.memory_space<vmem>>, vector<1x16xf32>,
        %add3A_1007 = arith.constant 32 : i32
        %add3A_1008 = arith.addi %squeeze3A_239, %add3A_1007 : i32
        %get3A_1009 = arith.index_cast %scan3A_231 : i32 to index
        %get3A_1010 = arith.index_cast %add3A_1008 : i32 to index
        %get3A_1011 = tpu.vector_load %arg18[%get3A_1009, %get3A_1010] {strides = array<i32>} : memref<32x128xf32, #tpu.memory_space<vmem>>, vector<1x16xf32>,
        %get3A_1012 = vector.shape_cast %get3A_1011 : vector<1x16xf32> to vector<16xf32>
        %swap3A_1013 = arith.index_cast %scan3A_231 : i32 to index
        %swap3A_1014 = arith.constant 32 : index
        %swap3A_1015 = tpu.vector_load %arg20[%swap3A_1013, %swap3A_1014] {strides = array<i32>} : memref<32x64xf32, #tpu.memory_space<vmem>>, vector<1x16xf32>,
        %swap3A_1016 = vector.shape_cast %swap3A_1015 : vector<1x16xf32> to vector<16xf32>
        %swap3A_1017 = vector.shape_cast %get3A_1012 : vector<16xf32> to vector<1x16xf32>
        tpu.vector_store %arg20[%swap3A_1013, %swap3A_1014], %swap3A_1017 {strides = array<i32>} : memref<32x64xf32, #tpu.memory_space<vmem>>, vector<1x16xf32>,
        %add3A_1018 = arith.constant 48 : i32
        %add3A_1019 = arith.addi %squeeze3A, %add3A_1018 : i32
        %get3A_1020 = arith.index_cast %scan3A_231 : i32 to index
        %get3A_1021 = arith.index_cast %add3A_1019 : i32 to index
        %get3A_1022 = tpu.vector_load %arg17[%get3A_1020, %get3A_1021] {strides = array<i32>} : memref<32x128xf32, #tpu.memory_space<vmem>>, vector<1x16xf32>,
        %get3A_1023 = vector.shape_cast %get3A_1022 : vector<1x16xf32> to vector<16xf32>
        %mul3A_1024 = arith.constant 20 : i32
        %mul3A_1025 = arith.muli %scan3A_231, %mul3A_1024 : i32
        %add3A_1026 = arith.constant 0 : i32
        %add3A_1027 = arith.addi %mul3A_1025, %add3A_1026 : i32
        %add3A_1028 = arith.constant 48 : i32
        %add3A_1029 = arith.addi %squeeze3A_253, %add3A_1028 : i32
        %get3A_1030 = arith.index_cast %add3A_1027 : i32 to index
        %get3A_1031 = arith.index_cast %add3A_1029 : i32 to index
        %get3A_1032 = tpu.vector_load %arg16[%get3A_1030, %get3A_1031] {strides = array<i32>} : memref<640x128xf32, #tpu.memory_space<vmem>>, vector<1x16xf32>,
        %get3A_1033 = vector.shape_cast %get3A_1032 : vector<1x16xf32> to vector<16xf32>
        %add3A_1034 = arith.addf %get3A_1023, %get3A_1033 : vector<16xf32>
        %mul3A_1035 = arith.constant 20 : i32
        %mul3A_1036 = arith.muli %scan3A_231, %mul3A_1035 : i32
        %add3A_1037 = arith.constant 1 : i32
        %add3A_1038 = arith.addi %mul3A_1036, %add3A_1037 : i32
        %add3A_1039 = arith.constant 48 : i32
        %add3A_1040 = arith.addi %squeeze3A_255, %add3A_1039 : i32
        %get3A_1041 = arith.index_cast %add3A_1038 : i32 to index
        %get3A_1042 = arith.index_cast %add3A_1040 : i32 to index
        %get3A_1043 = tpu.vector_load %arg16[%get3A_1041, %get3A_1042] {strides = array<i32>} : memref<640x128xf32, #tpu.memory_space<vmem>>, vector<1x16xf32>,
        %get3A_1044 = vector.shape_cast %get3A_1043 : vector<1x16xf32> to vector<16xf32>
        %add3A_1045 = arith.addf %add3A_1034, %get3A_1044 : vector<16xf32>
        %mul3A_1046 = arith.constant 20 : i32
        %mul3A_1047 = arith.muli %scan3A_231, %mul3A_1046 : i32
        %add3A_1048 = arith.constant 2 : i32
        %add3A_1049 = arith.addi %mul3A_1047, %add3A_1048 : i32
        %add3A_1050 = arith.constant 48 : i32
        %add3A_1051 = arith.addi %squeeze3A_257, %add3A_1050 : i32
        %get3A_1052 = arith.index_cast %add3A_1049 : i32 to index
        %get3A_1053 = arith.index_cast %add3A_1051 : i32 to index
        %get3A_1054 = tpu.vector_load %arg16[%get3A_1052, %get3A_1053] {strides = array<i32>} : memref<640x128xf32, #tpu.memory_space<vmem>>, vector<1x16xf32>,
        %get3A_1055 = vector.shape_cast %get3A_1054 : vector<1x16xf32> to vector<16xf32>
        %add3A_1056 = arith.addf %add3A_1045, %get3A_1055 : vector<16xf32>
        %mul3A_1057 = arith.constant 20 : i32
        %mul3A_1058 = arith.muli %scan3A_231, %mul3A_1057 : i32
        %add3A_1059 = arith.constant 3 : i32
        %add3A_1060 = arith.addi %mul3A_1058, %add3A_1059 : i32
        %add3A_1061 = arith.constant 48 : i32
        %add3A_1062 = arith.addi %squeeze3A_259, %add3A_1061 : i32
        %get3A_1063 = arith.index_cast %add3A_1060 : i32 to index
        %get3A_1064 = arith.index_cast %add3A_1062 : i32 to index
        %get3A_1065 = tpu.vector_load %arg16[%get3A_1063, %get3A_1064] {strides = array<i32>} : memref<640x128xf32, #tpu.memory_space<vmem>>, vector<1x16xf32>,
        %get3A_1066 = vector.shape_cast %get3A_1065 : vector<1x16xf32> to vector<16xf32>
        %add3A_1067 = arith.addf %add3A_1056, %get3A_1066 : vector<16xf32>
        %mul3A_1068 = arith.constant 20 : i32
        %mul3A_1069 = arith.muli %scan3A_231, %mul3A_1068 : i32
        %add3A_1070 = arith.constant 4 : i32
        %add3A_1071 = arith.addi %mul3A_1069, %add3A_1070 : i32
        %add3A_1072 = arith.constant 48 : i32
        %add3A_1073 = arith.addi %squeeze3A_261, %add3A_1072 : i32
        %get3A_1074 = arith.index_cast %add3A_1071 : i32 to index
        %get3A_1075 = arith.index_cast %add3A_1073 : i32 to index
        %get3A_1076 = tpu.vector_load %arg16[%get3A_1074, %get3A_1075] {strides = array<i32>} : memref<640x128xf32, #tpu.memory_space<vmem>>, vector<1x16xf32>,
        %get3A_1077 = vector.shape_cast %get3A_1076 : vector<1x16xf32> to vector<16xf32>
        %add3A_1078 = arith.addf %add3A_1067, %get3A_1077 : vector<16xf32>
        %mul3A_1079 = arith.constant 20 : i32
        %mul3A_1080 = arith.muli %scan3A_231, %mul3A_1079 : i32
        %add3A_1081 = arith.constant 5 : i32
        %add3A_1082 = arith.addi %mul3A_1080, %add3A_1081 : i32
        %add3A_1083 = arith.constant 48 : i32
        %add3A_1084 = arith.addi %squeeze3A_263, %add3A_1083 : i32
        %get3A_1085 = arith.index_cast %add3A_1082 : i32 to index
        %get3A_1086 = arith.index_cast %add3A_1084 : i32 to index
        %get3A_1087 = tpu.vector_load %arg16[%get3A_1085, %get3A_1086] {strides = array<i32>} : memref<640x128xf32, #tpu.memory_space<vmem>>, vector<1x16xf32>,
        %get3A_1088 = vector.shape_cast %get3A_1087 : vector<1x16xf32> to vector<16xf32>
        %add3A_1089 = arith.addf %add3A_1078, %get3A_1088 : vector<16xf32>
        %mul3A_1090 = arith.constant 20 : i32
        %mul3A_1091 = arith.muli %scan3A_231, %mul3A_1090 : i32
        %add3A_1092 = arith.constant 6 : i32
        %add3A_1093 = arith.addi %mul3A_1091, %add3A_1092 : i32
        %add3A_1094 = arith.constant 48 : i32
        %add3A_1095 = arith.addi %squeeze3A_265, %add3A_1094 : i32
        %get3A_1096 = arith.index_cast %add3A_1093 : i32 to index
        %get3A_1097 = arith.index_cast %add3A_1095 : i32 to index
        %get3A_1098 = tpu.vector_load %arg16[%get3A_1096, %get3A_1097] {strides = array<i32>} : memref<640x128xf32, #tpu.memory_space<vmem>>, vector<1x16xf32>,
        %get3A_1099 = vector.shape_cast %get3A_1098 : vector<1x16xf32> to vector<16xf32>
        %add3A_1100 = arith.addf %add3A_1089, %get3A_1099 : vector<16xf32>
        %mul3A_1101 = arith.constant 20 : i32
        %mul3A_1102 = arith.muli %scan3A_231, %mul3A_1101 : i32
        %add3A_1103 = arith.constant 7 : i32
        %add3A_1104 = arith.addi %mul3A_1102, %add3A_1103 : i32
        %add3A_1105 = arith.constant 48 : i32
        %add3A_1106 = arith.addi %squeeze3A_267, %add3A_1105 : i32
        %get3A_1107 = arith.index_cast %add3A_1104 : i32 to index
        %get3A_1108 = arith.index_cast %add3A_1106 : i32 to index
        %get3A_1109 = tpu.vector_load %arg16[%get3A_1107, %get3A_1108] {strides = array<i32>} : memref<640x128xf32, #tpu.memory_space<vmem>>, vector<1x16xf32>,
        %get3A_1110 = vector.shape_cast %get3A_1109 : vector<1x16xf32> to vector<16xf32>
        %add3A_1111 = arith.addf %add3A_1100, %get3A_1110 : vector<16xf32>
        %mul3A_1112 = arith.constant 20 : i32
        %mul3A_1113 = arith.muli %scan3A_231, %mul3A_1112 : i32
        %add3A_1114 = arith.constant 8 : i32
        %add3A_1115 = arith.addi %mul3A_1113, %add3A_1114 : i32
        %add3A_1116 = arith.constant 48 : i32
        %add3A_1117 = arith.addi %squeeze3A_269, %add3A_1116 : i32
        %get3A_1118 = arith.index_cast %add3A_1115 : i32 to index
        %get3A_1119 = arith.index_cast %add3A_1117 : i32 to index
        %get3A_1120 = tpu.vector_load %arg16[%get3A_1118, %get3A_1119] {strides = array<i32>} : memref<640x128xf32, #tpu.memory_space<vmem>>, vector<1x16xf32>,
        %get3A_1121 = vector.shape_cast %get3A_1120 : vector<1x16xf32> to vector<16xf32>
        %add3A_1122 = arith.addf %add3A_1111, %get3A_1121 : vector<16xf32>
        %mul3A_1123 = arith.constant 20 : i32
        %mul3A_1124 = arith.muli %scan3A_231, %mul3A_1123 : i32
        %add3A_1125 = arith.constant 9 : i32
        %add3A_1126 = arith.addi %mul3A_1124, %add3A_1125 : i32
        %add3A_1127 = arith.constant 48 : i32
        %add3A_1128 = arith.addi %squeeze3A_271, %add3A_1127 : i32
        %get3A_1129 = arith.index_cast %add3A_1126 : i32 to index
        %get3A_1130 = arith.index_cast %add3A_1128 : i32 to index
        %get3A_1131 = tpu.vector_load %arg16[%get3A_1129, %get3A_1130] {strides = array<i32>} : memref<640x128xf32, #tpu.memory_space<vmem>>, vector<1x16xf32>,
        %get3A_1132 = vector.shape_cast %get3A_1131 : vector<1x16xf32> to vector<16xf32>
        %add3A_1133 = arith.addf %add3A_1122, %get3A_1132 : vector<16xf32>
        %mul3A_1134 = arith.constant 20 : i32
        %mul3A_1135 = arith.muli %scan3A_231, %mul3A_1134 : i32
        %add3A_1136 = arith.constant 10 : i32
        %add3A_1137 = arith.addi %mul3A_1135, %add3A_1136 : i32
        %add3A_1138 = arith.constant 48 : i32
        %add3A_1139 = arith.addi %squeeze3A_273, %add3A_1138 : i32
        %get3A_1140 = arith.index_cast %add3A_1137 : i32 to index
        %get3A_1141 = arith.index_cast %add3A_1139 : i32 to index
        %get3A_1142 = tpu.vector_load %arg16[%get3A_1140, %get3A_1141] {strides = array<i32>} : memref<640x128xf32, #tpu.memory_space<vmem>>, vector<1x16xf32>,
        %get3A_1143 = vector.shape_cast %get3A_1142 : vector<1x16xf32> to vector<16xf32>
        %add3A_1144 = arith.addf %add3A_1133, %get3A_1143 : vector<16xf32>
        %mul3A_1145 = arith.constant 20 : i32
        %mul3A_1146 = arith.muli %scan3A_231, %mul3A_1145 : i32
        %add3A_1147 = arith.constant 11 : i32
        %add3A_1148 = arith.addi %mul3A_1146, %add3A_1147 : i32
        %add3A_1149 = arith.constant 48 : i32
        %add3A_1150 = arith.addi %squeeze3A_275, %add3A_1149 : i32
        %get3A_1151 = arith.index_cast %add3A_1148 : i32 to index
        %get3A_1152 = arith.index_cast %add3A_1150 : i32 to index
        %get3A_1153 = tpu.vector_load %arg16[%get3A_1151, %get3A_1152] {strides = array<i32>} : memref<640x128xf32, #tpu.memory_space<vmem>>, vector<1x16xf32>,
        %get3A_1154 = vector.shape_cast %get3A_1153 : vector<1x16xf32> to vector<16xf32>
        %add3A_1155 = arith.addf %add3A_1144, %get3A_1154 : vector<16xf32>
        %mul3A_1156 = arith.constant 20 : i32
        %mul3A_1157 = arith.muli %scan3A_231, %mul3A_1156 : i32
        %add3A_1158 = arith.constant 12 : i32
        %add3A_1159 = arith.addi %mul3A_1157, %add3A_1158 : i32
        %add3A_1160 = arith.constant 48 : i32
        %add3A_1161 = arith.addi %squeeze3A_277, %add3A_1160 : i32
        %get3A_1162 = arith.index_cast %add3A_1159 : i32 to index
        %get3A_1163 = arith.index_cast %add3A_1161 : i32 to index
        %get3A_1164 = tpu.vector_load %arg16[%get3A_1162, %get3A_1163] {strides = array<i32>} : memref<640x128xf32, #tpu.memory_space<vmem>>, vector<1x16xf32>,
        %get3A_1165 = vector.shape_cast %get3A_1164 : vector<1x16xf32> to vector<16xf32>
        %add3A_1166 = arith.addf %add3A_1155, %get3A_1165 : vector<16xf32>
        %mul3A_1167 = arith.constant 20 : i32
        %mul3A_1168 = arith.muli %scan3A_231, %mul3A_1167 : i32
        %add3A_1169 = arith.constant 13 : i32
        %add3A_1170 = arith.addi %mul3A_1168, %add3A_1169 : i32
        %add3A_1171 = arith.constant 48 : i32
        %add3A_1172 = arith.addi %squeeze3A_279, %add3A_1171 : i32
        %get3A_1173 = arith.index_cast %add3A_1170 : i32 to index
        %get3A_1174 = arith.index_cast %add3A_1172 : i32 to index
        %get3A_1175 = tpu.vector_load %arg16[%get3A_1173, %get3A_1174] {strides = array<i32>} : memref<640x128xf32, #tpu.memory_space<vmem>>, vector<1x16xf32>,
        %get3A_1176 = vector.shape_cast %get3A_1175 : vector<1x16xf32> to vector<16xf32>
        %add3A_1177 = arith.addf %add3A_1166, %get3A_1176 : vector<16xf32>
        %mul3A_1178 = arith.constant 20 : i32
        %mul3A_1179 = arith.muli %scan3A_231, %mul3A_1178 : i32
        %add3A_1180 = arith.constant 14 : i32
        %add3A_1181 = arith.addi %mul3A_1179, %add3A_1180 : i32
        %add3A_1182 = arith.constant 48 : i32
        %add3A_1183 = arith.addi %squeeze3A_281, %add3A_1182 : i32
        %get3A_1184 = arith.index_cast %add3A_1181 : i32 to index
        %get3A_1185 = arith.index_cast %add3A_1183 : i32 to index
        %get3A_1186 = tpu.vector_load %arg16[%get3A_1184, %get3A_1185] {strides = array<i32>} : memref<640x128xf32, #tpu.memory_space<vmem>>, vector<1x16xf32>,
        %get3A_1187 = vector.shape_cast %get3A_1186 : vector<1x16xf32> to vector<16xf32>
        %add3A_1188 = arith.addf %add3A_1177, %get3A_1187 : vector<16xf32>
        %mul3A_1189 = arith.constant 20 : i32
        %mul3A_1190 = arith.muli %scan3A_231, %mul3A_1189 : i32
        %add3A_1191 = arith.constant 15 : i32
        %add3A_1192 = arith.addi %mul3A_1190, %add3A_1191 : i32
        %add3A_1193 = arith.constant 48 : i32
        %add3A_1194 = arith.addi %squeeze3A_283, %add3A_1193 : i32
        %get3A_1195 = arith.index_cast %add3A_1192 : i32 to index
        %get3A_1196 = arith.index_cast %add3A_1194 : i32 to index
        %get3A_1197 = tpu.vector_load %arg16[%get3A_1195, %get3A_1196] {strides = array<i32>} : memref<640x128xf32, #tpu.memory_space<vmem>>, vector<1x16xf32>,
        %get3A_1198 = vector.shape_cast %get3A_1197 : vector<1x16xf32> to vector<16xf32>
        %add3A_1199 = arith.addf %add3A_1188, %get3A_1198 : vector<16xf32>
        %mul3A_1200 = arith.constant 20 : i32
        %mul3A_1201 = arith.muli %scan3A_231, %mul3A_1200 : i32
        %add3A_1202 = arith.constant 16 : i32
        %add3A_1203 = arith.addi %mul3A_1201, %add3A_1202 : i32
        %add3A_1204 = arith.constant 48 : i32
        %add3A_1205 = arith.addi %squeeze3A_285, %add3A_1204 : i32
        %get3A_1206 = arith.index_cast %add3A_1203 : i32 to index
        %get3A_1207 = arith.index_cast %add3A_1205 : i32 to index
        %get3A_1208 = tpu.vector_load %arg16[%get3A_1206, %get3A_1207] {strides = array<i32>} : memref<640x128xf32, #tpu.memory_space<vmem>>, vector<1x16xf32>,
        %get3A_1209 = vector.shape_cast %get3A_1208 : vector<1x16xf32> to vector<16xf32>
        %add3A_1210 = arith.addf %add3A_1199, %get3A_1209 : vector<16xf32>
        %mul3A_1211 = arith.constant 20 : i32
        %mul3A_1212 = arith.muli %scan3A_231, %mul3A_1211 : i32
        %add3A_1213 = arith.constant 17 : i32
        %add3A_1214 = arith.addi %mul3A_1212, %add3A_1213 : i32
        %add3A_1215 = arith.constant 48 : i32
        %add3A_1216 = arith.addi %squeeze3A_287, %add3A_1215 : i32
        %get3A_1217 = arith.index_cast %add3A_1214 : i32 to index
        %get3A_1218 = arith.index_cast %add3A_1216 : i32 to index
        %get3A_1219 = tpu.vector_load %arg16[%get3A_1217, %get3A_1218] {strides = array<i32>} : memref<640x128xf32, #tpu.memory_space<vmem>>, vector<1x16xf32>,
        %get3A_1220 = vector.shape_cast %get3A_1219 : vector<1x16xf32> to vector<16xf32>
        %add3A_1221 = arith.addf %add3A_1210, %get3A_1220 : vector<16xf32>
        %mul3A_1222 = arith.constant 20 : i32
        %mul3A_1223 = arith.muli %scan3A_231, %mul3A_1222 : i32
        %add3A_1224 = arith.constant 18 : i32
        %add3A_1225 = arith.addi %mul3A_1223, %add3A_1224 : i32
        %add3A_1226 = arith.constant 48 : i32
        %add3A_1227 = arith.addi %squeeze3A_289, %add3A_1226 : i32
        %get3A_1228 = arith.index_cast %add3A_1225 : i32 to index
        %get3A_1229 = arith.index_cast %add3A_1227 : i32 to index
        %get3A_1230 = tpu.vector_load %arg16[%get3A_1228, %get3A_1229] {strides = array<i32>} : memref<640x128xf32, #tpu.memory_space<vmem>>, vector<1x16xf32>,
        %get3A_1231 = vector.shape_cast %get3A_1230 : vector<1x16xf32> to vector<16xf32>
        %add3A_1232 = arith.addf %add3A_1221, %get3A_1231 : vector<16xf32>
        %mul3A_1233 = arith.constant 20 : i32
        %mul3A_1234 = arith.muli %scan3A_231, %mul3A_1233 : i32
        %add3A_1235 = arith.constant 19 : i32
        %add3A_1236 = arith.addi %mul3A_1234, %add3A_1235 : i32
        %add3A_1237 = arith.constant 48 : i32
        %add3A_1238 = arith.addi %squeeze3A_291, %add3A_1237 : i32
        %get3A_1239 = arith.index_cast %add3A_1236 : i32 to index
        %get3A_1240 = arith.index_cast %add3A_1238 : i32 to index
        %get3A_1241 = tpu.vector_load %arg16[%get3A_1239, %get3A_1240] {strides = array<i32>} : memref<640x128xf32, #tpu.memory_space<vmem>>, vector<1x16xf32>,
        %get3A_1242 = vector.shape_cast %get3A_1241 : vector<1x16xf32> to vector<16xf32>
        %add3A_1243 = arith.addf %add3A_1232, %get3A_1242 : vector<16xf32>
        %swap3A_1244 = arith.index_cast %scan3A_231 : i32 to index
        %swap3A_1245 = arith.constant 48 : index
        %swap3A_1246 = tpu.vector_load %arg19[%swap3A_1244, %swap3A_1245] {strides = array<i32>} : memref<32x64xf32, #tpu.memory_space<vmem>>, vector<1x16xf32>,
        %swap3A_1247 = vector.shape_cast %swap3A_1246 : vector<1x16xf32> to vector<16xf32>
        %swap3A_1248 = vector.shape_cast %add3A_1243 : vector<16xf32> to vector<1x16xf32>
        tpu.vector_store %arg19[%swap3A_1244, %swap3A_1245], %swap3A_1248 {strides = array<i32>} : memref<32x64xf32, #tpu.memory_space<vmem>>, vector<1x16xf32>,
        %add3A_1249 = arith.constant 48 : i32
        %add3A_1250 = arith.addi %squeeze3A_239, %add3A_1249 : i32
        %get3A_1251 = arith.index_cast %scan3A_231 : i32 to index
        %get3A_1252 = arith.index_cast %add3A_1250 : i32 to index
        %get3A_1253 = tpu.vector_load %arg18[%get3A_1251, %get3A_1252] {strides = array<i32>} : memref<32x128xf32, #tpu.memory_space<vmem>>, vector<1x16xf32>,
        %get3A_1254 = vector.shape_cast %get3A_1253 : vector<1x16xf32> to vector<16xf32>
        %swap3A_1255 = arith.index_cast %scan3A_231 : i32 to index
        %swap3A_1256 = arith.constant 48 : index
        %swap3A_1257 = tpu.vector_load %arg20[%swap3A_1255, %swap3A_1256] {strides = array<i32>} : memref<32x64xf32, #tpu.memory_space<vmem>>, vector<1x16xf32>,
        %swap3A_1258 = vector.shape_cast %swap3A_1257 : vector<1x16xf32> to vector<16xf32>
        %swap3A_1259 = vector.shape_cast %get3A_1254 : vector<16xf32> to vector<1x16xf32>
        tpu.vector_store %arg20[%swap3A_1255, %swap3A_1256], %swap3A_1259 {strides = array<i32>} : memref<32x64xf32, #tpu.memory_space<vmem>>, vector<1x16xf32>,
      }
      %scan3A_230 = arith.constant 32 : i32
      "tpu.region"() ({
        %run_scoped3A = tpu.sem_alloc : memref<!tpu.dma_semaphore, #tpu.memory_space<semaphore_mem>>
        %dma_start3A_231 = arith.constant 0 : i32
        %dma_start3A_232 = tpu.memref_slice %arg7[%add3A_11, %dma_start3A_231] : memref<4096x64xf32, #tpu.memory_space<hbm>> -> memref<32x64xf32, #tpu.memory_space<hbm>>
        %dma_start3A_233 = arith.constant 0 : i32
        %dma_start3A_234 = tpu.memref_slice %arg7[%add3A_11, %dma_start3A_233] : memref<4096x64xf32, #tpu.memory_space<hbm>> -> memref<32x64xf32, #tpu.memory_space<hbm>>
        tpu.enqueue_dma source(%arg19 : memref<32x64xf32, #tpu.memory_space<vmem>>) target(%dma_start3A_234 : memref<32x64xf32, #tpu.memory_space<hbm>>) target_semaphore(%run_scoped3A : memref<!tpu.dma_semaphore, #tpu.memory_space<semaphore_mem>>)
        %dma_wait3A_235 = arith.constant 0 : i32
        %dma_wait3A_236 = tpu.memref_slice %arg7[%add3A_11, %dma_wait3A_235] : memref<4096x64xf32, #tpu.memory_space<hbm>> -> memref<32x64xf32, #tpu.memory_space<hbm>>
        %dma_wait3A_237 = arith.constant 0 : i32
        %dma_wait3A_238 = tpu.memref_slice %arg7[%add3A_11, %dma_wait3A_237] : memref<4096x64xf32, #tpu.memory_space<hbm>> -> memref<32x64xf32, #tpu.memory_space<hbm>>
        tpu.wait_dma2 semaphore(%run_scoped3A : memref<!tpu.dma_semaphore, #tpu.memory_space<semaphore_mem>>) src(%arg19 : memref<32x64xf32, #tpu.memory_space<vmem>>) dst(%dma_wait3A_238 : memref<32x64xf32, #tpu.memory_space<hbm>>)
        tpu.yield
      }) : () -> ()
      "tpu.region"() ({
        %run_scoped3A = tpu.sem_alloc : memref<!tpu.dma_semaphore, #tpu.memory_space<semaphore_mem>>
        %dma_start3A_231 = arith.constant 0 : i32
        %dma_start3A_232 = tpu.memref_slice %arg8[%add3A_11, %dma_start3A_231] : memref<4096x64xf32, #tpu.memory_space<hbm>> -> memref<32x64xf32, #tpu.memory_space<hbm>>
        %dma_start3A_233 = arith.constant 0 : i32
        %dma_start3A_234 = tpu.memref_slice %arg8[%add3A_11, %dma_start3A_233] : memref<4096x64xf32, #tpu.memory_space<hbm>> -> memref<32x64xf32, #tpu.memory_space<hbm>>
        tpu.enqueue_dma source(%arg20 : memref<32x64xf32, #tpu.memory_space<vmem>>) target(%dma_start3A_234 : memref<32x64xf32, #tpu.memory_space<hbm>>) target_semaphore(%run_scoped3A : memref<!tpu.dma_semaphore, #tpu.memory_space<semaphore_mem>>)
        %dma_wait3A_235 = arith.constant 0 : i32
        %dma_wait3A_236 = tpu.memref_slice %arg8[%add3A_11, %dma_wait3A_235] : memref<4096x64xf32, #tpu.memory_space<hbm>> -> memref<32x64xf32, #tpu.memory_space<hbm>>
        %dma_wait3A_237 = arith.constant 0 : i32
        %dma_wait3A_238 = tpu.memref_slice %arg8[%add3A_11, %dma_wait3A_237] : memref<4096x64xf32, #tpu.memory_space<hbm>> -> memref<32x64xf32, #tpu.memory_space<hbm>>
        tpu.wait_dma2 semaphore(%run_scoped3A : memref<!tpu.dma_semaphore, #tpu.memory_space<semaphore_mem>>) src(%arg20 : memref<32x64xf32, #tpu.memory_space<vmem>>) dst(%dma_wait3A_238 : memref<32x64xf32, #tpu.memory_space<hbm>>)
        tpu.yield
      }) : () -> ()
    }
    %scan3A_5 = arith.constant 4 : i32
    return
  }
}

module attributes {stable_mosaic.version = 14 : i64} {
  func.func @_tp_body(%arg0: i32, %arg1: memref<64x16384xf32, #tpu.memory_space<vmem>>, %arg2: memref<8192x128xf32, #tpu.memory_space<vmem>>) attributes {dimension_semantics = [#tpu.dimension_semantics<arbitrary>], iteration_bounds = array<i64: 7>, scalar_prefetch = 0 : i64, scratch_operands = 0 : i64, tpu.core_type = #tpu.core_type<tc>, window_params = [{transform_indices = @transform_0, window_bounds = array<i64: 64, 16384>}, {transform_indices = @transform_1, window_bounds = array<i64: 8192, 128>}]} {
    %get3A = arith.constant 0 : index
    %get3A_0 = arith.constant 0 : index
    %get3A_1 = vector.load %arg1[%get3A, %get3A_0] : memref<64x16384xf32, #tpu.memory_space<vmem>>, vector<64x512xf32>
    %transpose3A = tpu.transpose %get3A_1, [1, 0] : vector<64x512xf32> -> vector<512x64xf32>
    %get3A_2 = arith.constant 0 : index
    %get3A_3 = arith.constant 512 : index
    %get3A_4 = vector.load %arg1[%get3A_2, %get3A_3] : memref<64x16384xf32, #tpu.memory_space<vmem>>, vector<64x512xf32>
    %transpose3A_5 = tpu.transpose %get3A_4, [1, 0] : vector<64x512xf32> -> vector<512x64xf32>
    %concatenate3A = tpu.concatenate %transpose3A, %transpose3A_5 in 1 : vector<512x64xf32>, vector<512x64xf32> -> vector<512x128xf32>
    %swap3A = arith.constant 0 : index
    %swap3A_6 = arith.constant 0 : index
    %swap3A_7 = vector.load %arg2[%swap3A, %swap3A_6] : memref<8192x128xf32, #tpu.memory_space<vmem>>, vector<512x128xf32>
    tpu.vector_store %arg2[%swap3A, %swap3A_6], %concatenate3A {strides = array<i32>} : memref<8192x128xf32, #tpu.memory_space<vmem>>, vector<512x128xf32>,
    %get3A_8 = arith.constant 0 : index
    %get3A_9 = arith.constant 1024 : index
    %get3A_10 = vector.load %arg1[%get3A_8, %get3A_9] : memref<64x16384xf32, #tpu.memory_space<vmem>>, vector<64x512xf32>
    %transpose3A_11 = tpu.transpose %get3A_10, [1, 0] : vector<64x512xf32> -> vector<512x64xf32>
    %get3A_12 = arith.constant 0 : index
    %get3A_13 = arith.constant 1536 : index
    %get3A_14 = vector.load %arg1[%get3A_12, %get3A_13] : memref<64x16384xf32, #tpu.memory_space<vmem>>, vector<64x512xf32>
    %transpose3A_15 = tpu.transpose %get3A_14, [1, 0] : vector<64x512xf32> -> vector<512x64xf32>
    %concatenate3A_16 = tpu.concatenate %transpose3A_11, %transpose3A_15 in 1 : vector<512x64xf32>, vector<512x64xf32> -> vector<512x128xf32>
    %swap3A_17 = arith.constant 512 : index
    %swap3A_18 = arith.constant 0 : index
    %swap3A_19 = vector.load %arg2[%swap3A_17, %swap3A_18] : memref<8192x128xf32, #tpu.memory_space<vmem>>, vector<512x128xf32>
    tpu.vector_store %arg2[%swap3A_17, %swap3A_18], %concatenate3A_16 {strides = array<i32>} : memref<8192x128xf32, #tpu.memory_space<vmem>>, vector<512x128xf32>,
    %get3A_20 = arith.constant 0 : index
    %get3A_21 = arith.constant 2048 : index
    %get3A_22 = vector.load %arg1[%get3A_20, %get3A_21] : memref<64x16384xf32, #tpu.memory_space<vmem>>, vector<64x512xf32>
    %transpose3A_23 = tpu.transpose %get3A_22, [1, 0] : vector<64x512xf32> -> vector<512x64xf32>
    %get3A_24 = arith.constant 0 : index
    %get3A_25 = arith.constant 2560 : index
    %get3A_26 = vector.load %arg1[%get3A_24, %get3A_25] : memref<64x16384xf32, #tpu.memory_space<vmem>>, vector<64x512xf32>
    %transpose3A_27 = tpu.transpose %get3A_26, [1, 0] : vector<64x512xf32> -> vector<512x64xf32>
    %concatenate3A_28 = tpu.concatenate %transpose3A_23, %transpose3A_27 in 1 : vector<512x64xf32>, vector<512x64xf32> -> vector<512x128xf32>
    %swap3A_29 = arith.constant 1024 : index
    %swap3A_30 = arith.constant 0 : index
    %swap3A_31 = vector.load %arg2[%swap3A_29, %swap3A_30] : memref<8192x128xf32, #tpu.memory_space<vmem>>, vector<512x128xf32>
    tpu.vector_store %arg2[%swap3A_29, %swap3A_30], %concatenate3A_28 {strides = array<i32>} : memref<8192x128xf32, #tpu.memory_space<vmem>>, vector<512x128xf32>,
    %get3A_32 = arith.constant 0 : index
    %get3A_33 = arith.constant 3072 : index
    %get3A_34 = vector.load %arg1[%get3A_32, %get3A_33] : memref<64x16384xf32, #tpu.memory_space<vmem>>, vector<64x512xf32>
    %transpose3A_35 = tpu.transpose %get3A_34, [1, 0] : vector<64x512xf32> -> vector<512x64xf32>
    %get3A_36 = arith.constant 0 : index
    %get3A_37 = arith.constant 3584 : index
    %get3A_38 = vector.load %arg1[%get3A_36, %get3A_37] : memref<64x16384xf32, #tpu.memory_space<vmem>>, vector<64x512xf32>
    %transpose3A_39 = tpu.transpose %get3A_38, [1, 0] : vector<64x512xf32> -> vector<512x64xf32>
    %concatenate3A_40 = tpu.concatenate %transpose3A_35, %transpose3A_39 in 1 : vector<512x64xf32>, vector<512x64xf32> -> vector<512x128xf32>
    %swap3A_41 = arith.constant 1536 : index
    %swap3A_42 = arith.constant 0 : index
    %swap3A_43 = vector.load %arg2[%swap3A_41, %swap3A_42] : memref<8192x128xf32, #tpu.memory_space<vmem>>, vector<512x128xf32>
    tpu.vector_store %arg2[%swap3A_41, %swap3A_42], %concatenate3A_40 {strides = array<i32>} : memref<8192x128xf32, #tpu.memory_space<vmem>>, vector<512x128xf32>,
    %get3A_44 = arith.constant 0 : index
    %get3A_45 = arith.constant 4096 : index
    %get3A_46 = vector.load %arg1[%get3A_44, %get3A_45] : memref<64x16384xf32, #tpu.memory_space<vmem>>, vector<64x512xf32>
    %transpose3A_47 = tpu.transpose %get3A_46, [1, 0] : vector<64x512xf32> -> vector<512x64xf32>
    %get3A_48 = arith.constant 0 : index
    %get3A_49 = arith.constant 4608 : index
    %get3A_50 = vector.load %arg1[%get3A_48, %get3A_49] : memref<64x16384xf32, #tpu.memory_space<vmem>>, vector<64x512xf32>
    %transpose3A_51 = tpu.transpose %get3A_50, [1, 0] : vector<64x512xf32> -> vector<512x64xf32>
    %concatenate3A_52 = tpu.concatenate %transpose3A_47, %transpose3A_51 in 1 : vector<512x64xf32>, vector<512x64xf32> -> vector<512x128xf32>
    %swap3A_53 = arith.constant 2048 : index
    %swap3A_54 = arith.constant 0 : index
    %swap3A_55 = vector.load %arg2[%swap3A_53, %swap3A_54] : memref<8192x128xf32, #tpu.memory_space<vmem>>, vector<512x128xf32>
    tpu.vector_store %arg2[%swap3A_53, %swap3A_54], %concatenate3A_52 {strides = array<i32>} : memref<8192x128xf32, #tpu.memory_space<vmem>>, vector<512x128xf32>,
    %get3A_56 = arith.constant 0 : index
    %get3A_57 = arith.constant 5120 : index
    %get3A_58 = vector.load %arg1[%get3A_56, %get3A_57] : memref<64x16384xf32, #tpu.memory_space<vmem>>, vector<64x512xf32>
    %transpose3A_59 = tpu.transpose %get3A_58, [1, 0] : vector<64x512xf32> -> vector<512x64xf32>
    %get3A_60 = arith.constant 0 : index
    %get3A_61 = arith.constant 5632 : index
    %get3A_62 = vector.load %arg1[%get3A_60, %get3A_61] : memref<64x16384xf32, #tpu.memory_space<vmem>>, vector<64x512xf32>
    %transpose3A_63 = tpu.transpose %get3A_62, [1, 0] : vector<64x512xf32> -> vector<512x64xf32>
    %concatenate3A_64 = tpu.concatenate %transpose3A_59, %transpose3A_63 in 1 : vector<512x64xf32>, vector<512x64xf32> -> vector<512x128xf32>
    %swap3A_65 = arith.constant 2560 : index
    %swap3A_66 = arith.constant 0 : index
    %swap3A_67 = vector.load %arg2[%swap3A_65, %swap3A_66] : memref<8192x128xf32, #tpu.memory_space<vmem>>, vector<512x128xf32>
    tpu.vector_store %arg2[%swap3A_65, %swap3A_66], %concatenate3A_64 {strides = array<i32>} : memref<8192x128xf32, #tpu.memory_space<vmem>>, vector<512x128xf32>,
    %get3A_68 = arith.constant 0 : index
    %get3A_69 = arith.constant 6144 : index
    %get3A_70 = vector.load %arg1[%get3A_68, %get3A_69] : memref<64x16384xf32, #tpu.memory_space<vmem>>, vector<64x512xf32>
    %transpose3A_71 = tpu.transpose %get3A_70, [1, 0] : vector<64x512xf32> -> vector<512x64xf32>
    %get3A_72 = arith.constant 0 : index
    %get3A_73 = arith.constant 6656 : index
    %get3A_74 = vector.load %arg1[%get3A_72, %get3A_73] : memref<64x16384xf32, #tpu.memory_space<vmem>>, vector<64x512xf32>
    %transpose3A_75 = tpu.transpose %get3A_74, [1, 0] : vector<64x512xf32> -> vector<512x64xf32>
    %concatenate3A_76 = tpu.concatenate %transpose3A_71, %transpose3A_75 in 1 : vector<512x64xf32>, vector<512x64xf32> -> vector<512x128xf32>
    %swap3A_77 = arith.constant 3072 : index
    %swap3A_78 = arith.constant 0 : index
    %swap3A_79 = vector.load %arg2[%swap3A_77, %swap3A_78] : memref<8192x128xf32, #tpu.memory_space<vmem>>, vector<512x128xf32>
    tpu.vector_store %arg2[%swap3A_77, %swap3A_78], %concatenate3A_76 {strides = array<i32>} : memref<8192x128xf32, #tpu.memory_space<vmem>>, vector<512x128xf32>,
    %get3A_80 = arith.constant 0 : index
    %get3A_81 = arith.constant 7168 : index
    %get3A_82 = vector.load %arg1[%get3A_80, %get3A_81] : memref<64x16384xf32, #tpu.memory_space<vmem>>, vector<64x512xf32>
    %transpose3A_83 = tpu.transpose %get3A_82, [1, 0] : vector<64x512xf32> -> vector<512x64xf32>
    %get3A_84 = arith.constant 0 : index
    %get3A_85 = arith.constant 7680 : index
    %get3A_86 = vector.load %arg1[%get3A_84, %get3A_85] : memref<64x16384xf32, #tpu.memory_space<vmem>>, vector<64x512xf32>
    %transpose3A_87 = tpu.transpose %get3A_86, [1, 0] : vector<64x512xf32> -> vector<512x64xf32>
    %concatenate3A_88 = tpu.concatenate %transpose3A_83, %transpose3A_87 in 1 : vector<512x64xf32>, vector<512x64xf32> -> vector<512x128xf32>
    %swap3A_89 = arith.constant 3584 : index
    %swap3A_90 = arith.constant 0 : index
    %swap3A_91 = vector.load %arg2[%swap3A_89, %swap3A_90] : memref<8192x128xf32, #tpu.memory_space<vmem>>, vector<512x128xf32>
    tpu.vector_store %arg2[%swap3A_89, %swap3A_90], %concatenate3A_88 {strides = array<i32>} : memref<8192x128xf32, #tpu.memory_space<vmem>>, vector<512x128xf32>,
    %get3A_92 = arith.constant 0 : index
    %get3A_93 = arith.constant 8192 : index
    %get3A_94 = vector.load %arg1[%get3A_92, %get3A_93] : memref<64x16384xf32, #tpu.memory_space<vmem>>, vector<64x512xf32>
    %transpose3A_95 = tpu.transpose %get3A_94, [1, 0] : vector<64x512xf32> -> vector<512x64xf32>
    %get3A_96 = arith.constant 0 : index
    %get3A_97 = arith.constant 8704 : index
    %get3A_98 = vector.load %arg1[%get3A_96, %get3A_97] : memref<64x16384xf32, #tpu.memory_space<vmem>>, vector<64x512xf32>
    %transpose3A_99 = tpu.transpose %get3A_98, [1, 0] : vector<64x512xf32> -> vector<512x64xf32>
    %concatenate3A_100 = tpu.concatenate %transpose3A_95, %transpose3A_99 in 1 : vector<512x64xf32>, vector<512x64xf32> -> vector<512x128xf32>
    %swap3A_101 = arith.constant 4096 : index
    %swap3A_102 = arith.constant 0 : index
    %swap3A_103 = vector.load %arg2[%swap3A_101, %swap3A_102] : memref<8192x128xf32, #tpu.memory_space<vmem>>, vector<512x128xf32>
    tpu.vector_store %arg2[%swap3A_101, %swap3A_102], %concatenate3A_100 {strides = array<i32>} : memref<8192x128xf32, #tpu.memory_space<vmem>>, vector<512x128xf32>,
    %get3A_104 = arith.constant 0 : index
    %get3A_105 = arith.constant 9216 : index
    %get3A_106 = vector.load %arg1[%get3A_104, %get3A_105] : memref<64x16384xf32, #tpu.memory_space<vmem>>, vector<64x512xf32>
    %transpose3A_107 = tpu.transpose %get3A_106, [1, 0] : vector<64x512xf32> -> vector<512x64xf32>
    %get3A_108 = arith.constant 0 : index
    %get3A_109 = arith.constant 9728 : index
    %get3A_110 = vector.load %arg1[%get3A_108, %get3A_109] : memref<64x16384xf32, #tpu.memory_space<vmem>>, vector<64x512xf32>
    %transpose3A_111 = tpu.transpose %get3A_110, [1, 0] : vector<64x512xf32> -> vector<512x64xf32>
    %concatenate3A_112 = tpu.concatenate %transpose3A_107, %transpose3A_111 in 1 : vector<512x64xf32>, vector<512x64xf32> -> vector<512x128xf32>
    %swap3A_113 = arith.constant 4608 : index
    %swap3A_114 = arith.constant 0 : index
    %swap3A_115 = vector.load %arg2[%swap3A_113, %swap3A_114] : memref<8192x128xf32, #tpu.memory_space<vmem>>, vector<512x128xf32>
    tpu.vector_store %arg2[%swap3A_113, %swap3A_114], %concatenate3A_112 {strides = array<i32>} : memref<8192x128xf32, #tpu.memory_space<vmem>>, vector<512x128xf32>,
    %get3A_116 = arith.constant 0 : index
    %get3A_117 = arith.constant 10240 : index
    %get3A_118 = vector.load %arg1[%get3A_116, %get3A_117] : memref<64x16384xf32, #tpu.memory_space<vmem>>, vector<64x512xf32>
    %transpose3A_119 = tpu.transpose %get3A_118, [1, 0] : vector<64x512xf32> -> vector<512x64xf32>
    %get3A_120 = arith.constant 0 : index
    %get3A_121 = arith.constant 10752 : index
    %get3A_122 = vector.load %arg1[%get3A_120, %get3A_121] : memref<64x16384xf32, #tpu.memory_space<vmem>>, vector<64x512xf32>
    %transpose3A_123 = tpu.transpose %get3A_122, [1, 0] : vector<64x512xf32> -> vector<512x64xf32>
    %concatenate3A_124 = tpu.concatenate %transpose3A_119, %transpose3A_123 in 1 : vector<512x64xf32>, vector<512x64xf32> -> vector<512x128xf32>
    %swap3A_125 = arith.constant 5120 : index
    %swap3A_126 = arith.constant 0 : index
    %swap3A_127 = vector.load %arg2[%swap3A_125, %swap3A_126] : memref<8192x128xf32, #tpu.memory_space<vmem>>, vector<512x128xf32>
    tpu.vector_store %arg2[%swap3A_125, %swap3A_126], %concatenate3A_124 {strides = array<i32>} : memref<8192x128xf32, #tpu.memory_space<vmem>>, vector<512x128xf32>,
    %get3A_128 = arith.constant 0 : index
    %get3A_129 = arith.constant 11264 : index
    %get3A_130 = vector.load %arg1[%get3A_128, %get3A_129] : memref<64x16384xf32, #tpu.memory_space<vmem>>, vector<64x512xf32>
    %transpose3A_131 = tpu.transpose %get3A_130, [1, 0] : vector<64x512xf32> -> vector<512x64xf32>
    %get3A_132 = arith.constant 0 : index
    %get3A_133 = arith.constant 11776 : index
    %get3A_134 = vector.load %arg1[%get3A_132, %get3A_133] : memref<64x16384xf32, #tpu.memory_space<vmem>>, vector<64x512xf32>
    %transpose3A_135 = tpu.transpose %get3A_134, [1, 0] : vector<64x512xf32> -> vector<512x64xf32>
    %concatenate3A_136 = tpu.concatenate %transpose3A_131, %transpose3A_135 in 1 : vector<512x64xf32>, vector<512x64xf32> -> vector<512x128xf32>
    %swap3A_137 = arith.constant 5632 : index
    %swap3A_138 = arith.constant 0 : index
    %swap3A_139 = vector.load %arg2[%swap3A_137, %swap3A_138] : memref<8192x128xf32, #tpu.memory_space<vmem>>, vector<512x128xf32>
    tpu.vector_store %arg2[%swap3A_137, %swap3A_138], %concatenate3A_136 {strides = array<i32>} : memref<8192x128xf32, #tpu.memory_space<vmem>>, vector<512x128xf32>,
    %get3A_140 = arith.constant 0 : index
    %get3A_141 = arith.constant 12288 : index
    %get3A_142 = vector.load %arg1[%get3A_140, %get3A_141] : memref<64x16384xf32, #tpu.memory_space<vmem>>, vector<64x512xf32>
    %transpose3A_143 = tpu.transpose %get3A_142, [1, 0] : vector<64x512xf32> -> vector<512x64xf32>
    %get3A_144 = arith.constant 0 : index
    %get3A_145 = arith.constant 12800 : index
    %get3A_146 = vector.load %arg1[%get3A_144, %get3A_145] : memref<64x16384xf32, #tpu.memory_space<vmem>>, vector<64x512xf32>
    %transpose3A_147 = tpu.transpose %get3A_146, [1, 0] : vector<64x512xf32> -> vector<512x64xf32>
    %concatenate3A_148 = tpu.concatenate %transpose3A_143, %transpose3A_147 in 1 : vector<512x64xf32>, vector<512x64xf32> -> vector<512x128xf32>
    %swap3A_149 = arith.constant 6144 : index
    %swap3A_150 = arith.constant 0 : index
    %swap3A_151 = vector.load %arg2[%swap3A_149, %swap3A_150] : memref<8192x128xf32, #tpu.memory_space<vmem>>, vector<512x128xf32>
    tpu.vector_store %arg2[%swap3A_149, %swap3A_150], %concatenate3A_148 {strides = array<i32>} : memref<8192x128xf32, #tpu.memory_space<vmem>>, vector<512x128xf32>,
    %get3A_152 = arith.constant 0 : index
    %get3A_153 = arith.constant 13312 : index
    %get3A_154 = vector.load %arg1[%get3A_152, %get3A_153] : memref<64x16384xf32, #tpu.memory_space<vmem>>, vector<64x512xf32>
    %transpose3A_155 = tpu.transpose %get3A_154, [1, 0] : vector<64x512xf32> -> vector<512x64xf32>
    %get3A_156 = arith.constant 0 : index
    %get3A_157 = arith.constant 13824 : index
    %get3A_158 = vector.load %arg1[%get3A_156, %get3A_157] : memref<64x16384xf32, #tpu.memory_space<vmem>>, vector<64x512xf32>
    %transpose3A_159 = tpu.transpose %get3A_158, [1, 0] : vector<64x512xf32> -> vector<512x64xf32>
    %concatenate3A_160 = tpu.concatenate %transpose3A_155, %transpose3A_159 in 1 : vector<512x64xf32>, vector<512x64xf32> -> vector<512x128xf32>
    %swap3A_161 = arith.constant 6656 : index
    %swap3A_162 = arith.constant 0 : index
    %swap3A_163 = vector.load %arg2[%swap3A_161, %swap3A_162] : memref<8192x128xf32, #tpu.memory_space<vmem>>, vector<512x128xf32>
    tpu.vector_store %arg2[%swap3A_161, %swap3A_162], %concatenate3A_160 {strides = array<i32>} : memref<8192x128xf32, #tpu.memory_space<vmem>>, vector<512x128xf32>,
    %get3A_164 = arith.constant 0 : index
    %get3A_165 = arith.constant 14336 : index
    %get3A_166 = vector.load %arg1[%get3A_164, %get3A_165] : memref<64x16384xf32, #tpu.memory_space<vmem>>, vector<64x512xf32>
    %transpose3A_167 = tpu.transpose %get3A_166, [1, 0] : vector<64x512xf32> -> vector<512x64xf32>
    %get3A_168 = arith.constant 0 : index
    %get3A_169 = arith.constant 14848 : index
    %get3A_170 = vector.load %arg1[%get3A_168, %get3A_169] : memref<64x16384xf32, #tpu.memory_space<vmem>>, vector<64x512xf32>
    %transpose3A_171 = tpu.transpose %get3A_170, [1, 0] : vector<64x512xf32> -> vector<512x64xf32>
    %concatenate3A_172 = tpu.concatenate %transpose3A_167, %transpose3A_171 in 1 : vector<512x64xf32>, vector<512x64xf32> -> vector<512x128xf32>
    %swap3A_173 = arith.constant 7168 : index
    %swap3A_174 = arith.constant 0 : index
    %swap3A_175 = vector.load %arg2[%swap3A_173, %swap3A_174] : memref<8192x128xf32, #tpu.memory_space<vmem>>, vector<512x128xf32>
    tpu.vector_store %arg2[%swap3A_173, %swap3A_174], %concatenate3A_172 {strides = array<i32>} : memref<8192x128xf32, #tpu.memory_space<vmem>>, vector<512x128xf32>,
    %get3A_176 = arith.constant 0 : index
    %get3A_177 = arith.constant 15360 : index
    %get3A_178 = vector.load %arg1[%get3A_176, %get3A_177] : memref<64x16384xf32, #tpu.memory_space<vmem>>, vector<64x512xf32>
    %transpose3A_179 = tpu.transpose %get3A_178, [1, 0] : vector<64x512xf32> -> vector<512x64xf32>
    %get3A_180 = arith.constant 0 : index
    %get3A_181 = arith.constant 15872 : index
    %get3A_182 = vector.load %arg1[%get3A_180, %get3A_181] : memref<64x16384xf32, #tpu.memory_space<vmem>>, vector<64x512xf32>
    %transpose3A_183 = tpu.transpose %get3A_182, [1, 0] : vector<64x512xf32> -> vector<512x64xf32>
    %concatenate3A_184 = tpu.concatenate %transpose3A_179, %transpose3A_183 in 1 : vector<512x64xf32>, vector<512x64xf32> -> vector<512x128xf32>
    %swap3A_185 = arith.constant 7680 : index
    %swap3A_186 = arith.constant 0 : index
    %swap3A_187 = vector.load %arg2[%swap3A_185, %swap3A_186] : memref<8192x128xf32, #tpu.memory_space<vmem>>, vector<512x128xf32>
    tpu.vector_store %arg2[%swap3A_185, %swap3A_186], %concatenate3A_184 {strides = array<i32>} : memref<8192x128xf32, #tpu.memory_space<vmem>>, vector<512x128xf32>,
    return
  }
  func.func @transform_0(%arg0: i32) -> (i32, i32) {
    %c0_i32 = arith.constant 0 : i32
    %c0_i32_0 = arith.constant 0 : i32
    return %c0_i32, %arg0 : i32, i32
  }
  func.func @transform_1(%arg0: i32) -> (i32, i32) {
    %c0_i32 = arith.constant 0 : i32
    %c0_i32_0 = arith.constant 0 : i32
    return %arg0, %c0_i32 : i32, i32
  }
}

module attributes {stable_mosaic.version = 14 : i64} {
  func.func @_tp_body(%arg0: i32, %arg1: memref<64x16384xf32, #tpu.memory_space<vmem>>, %arg2: memref<8192x128xf32, #tpu.memory_space<vmem>>) attributes {dimension_semantics = [#tpu.dimension_semantics<arbitrary>], iteration_bounds = array<i64: 62>, scalar_prefetch = 0 : i64, scratch_operands = 0 : i64, tpu.core_type = #tpu.core_type<tc>, window_params = [{transform_indices = @transform_0, window_bounds = array<i64: 64, 16384>}, {transform_indices = @transform_1, window_bounds = array<i64: 8192, 128>}]} {
    %get3A = arith.constant 0 : index
    %get3A_0 = arith.constant 0 : index
    %get3A_1 = vector.load %arg1[%get3A, %get3A_0] : memref<64x16384xf32, #tpu.memory_space<vmem>>, vector<64x512xf32>
    %transpose3A = tpu.transpose %get3A_1, [1, 0] : vector<64x512xf32> -> vector<512x64xf32>
    %get3A_2 = arith.constant 0 : index
    %get3A_3 = arith.constant 512 : index
    %get3A_4 = vector.load %arg1[%get3A_2, %get3A_3] : memref<64x16384xf32, #tpu.memory_space<vmem>>, vector<64x512xf32>
    %transpose3A_5 = tpu.transpose %get3A_4, [1, 0] : vector<64x512xf32> -> vector<512x64xf32>
    %concatenate3A = tpu.concatenate %transpose3A, %transpose3A_5 in 1 : vector<512x64xf32>, vector<512x64xf32> -> vector<512x128xf32>
    %swap3A = arith.constant 0 : index
    %swap3A_6 = arith.constant 0 : index
    %swap3A_7 = vector.load %arg2[%swap3A, %swap3A_6] : memref<8192x128xf32, #tpu.memory_space<vmem>>, vector<512x128xf32>
    tpu.vector_store %arg2[%swap3A, %swap3A_6], %concatenate3A {strides = array<i32>} : memref<8192x128xf32, #tpu.memory_space<vmem>>, vector<512x128xf32>,
    %get3A_8 = arith.constant 0 : index
    %get3A_9 = arith.constant 1024 : index
    %get3A_10 = vector.load %arg1[%get3A_8, %get3A_9] : memref<64x16384xf32, #tpu.memory_space<vmem>>, vector<64x512xf32>
    %transpose3A_11 = tpu.transpose %get3A_10, [1, 0] : vector<64x512xf32> -> vector<512x64xf32>
    %get3A_12 = arith.constant 0 : index
    %get3A_13 = arith.constant 1536 : index
    %get3A_14 = vector.load %arg1[%get3A_12, %get3A_13] : memref<64x16384xf32, #tpu.memory_space<vmem>>, vector<64x512xf32>
    %transpose3A_15 = tpu.transpose %get3A_14, [1, 0] : vector<64x512xf32> -> vector<512x64xf32>
    %concatenate3A_16 = tpu.concatenate %transpose3A_11, %transpose3A_15 in 1 : vector<512x64xf32>, vector<512x64xf32> -> vector<512x128xf32>
    %swap3A_17 = arith.constant 512 : index
    %swap3A_18 = arith.constant 0 : index
    %swap3A_19 = vector.load %arg2[%swap3A_17, %swap3A_18] : memref<8192x128xf32, #tpu.memory_space<vmem>>, vector<512x128xf32>
    tpu.vector_store %arg2[%swap3A_17, %swap3A_18], %concatenate3A_16 {strides = array<i32>} : memref<8192x128xf32, #tpu.memory_space<vmem>>, vector<512x128xf32>,
    %get3A_20 = arith.constant 0 : index
    %get3A_21 = arith.constant 2048 : index
    %get3A_22 = vector.load %arg1[%get3A_20, %get3A_21] : memref<64x16384xf32, #tpu.memory_space<vmem>>, vector<64x512xf32>
    %transpose3A_23 = tpu.transpose %get3A_22, [1, 0] : vector<64x512xf32> -> vector<512x64xf32>
    %get3A_24 = arith.constant 0 : index
    %get3A_25 = arith.constant 2560 : index
    %get3A_26 = vector.load %arg1[%get3A_24, %get3A_25] : memref<64x16384xf32, #tpu.memory_space<vmem>>, vector<64x512xf32>
    %transpose3A_27 = tpu.transpose %get3A_26, [1, 0] : vector<64x512xf32> -> vector<512x64xf32>
    %concatenate3A_28 = tpu.concatenate %transpose3A_23, %transpose3A_27 in 1 : vector<512x64xf32>, vector<512x64xf32> -> vector<512x128xf32>
    %swap3A_29 = arith.constant 1024 : index
    %swap3A_30 = arith.constant 0 : index
    %swap3A_31 = vector.load %arg2[%swap3A_29, %swap3A_30] : memref<8192x128xf32, #tpu.memory_space<vmem>>, vector<512x128xf32>
    tpu.vector_store %arg2[%swap3A_29, %swap3A_30], %concatenate3A_28 {strides = array<i32>} : memref<8192x128xf32, #tpu.memory_space<vmem>>, vector<512x128xf32>,
    %get3A_32 = arith.constant 0 : index
    %get3A_33 = arith.constant 3072 : index
    %get3A_34 = vector.load %arg1[%get3A_32, %get3A_33] : memref<64x16384xf32, #tpu.memory_space<vmem>>, vector<64x512xf32>
    %transpose3A_35 = tpu.transpose %get3A_34, [1, 0] : vector<64x512xf32> -> vector<512x64xf32>
    %get3A_36 = arith.constant 0 : index
    %get3A_37 = arith.constant 3584 : index
    %get3A_38 = vector.load %arg1[%get3A_36, %get3A_37] : memref<64x16384xf32, #tpu.memory_space<vmem>>, vector<64x512xf32>
    %transpose3A_39 = tpu.transpose %get3A_38, [1, 0] : vector<64x512xf32> -> vector<512x64xf32>
    %concatenate3A_40 = tpu.concatenate %transpose3A_35, %transpose3A_39 in 1 : vector<512x64xf32>, vector<512x64xf32> -> vector<512x128xf32>
    %swap3A_41 = arith.constant 1536 : index
    %swap3A_42 = arith.constant 0 : index
    %swap3A_43 = vector.load %arg2[%swap3A_41, %swap3A_42] : memref<8192x128xf32, #tpu.memory_space<vmem>>, vector<512x128xf32>
    tpu.vector_store %arg2[%swap3A_41, %swap3A_42], %concatenate3A_40 {strides = array<i32>} : memref<8192x128xf32, #tpu.memory_space<vmem>>, vector<512x128xf32>,
    %get3A_44 = arith.constant 0 : index
    %get3A_45 = arith.constant 4096 : index
    %get3A_46 = vector.load %arg1[%get3A_44, %get3A_45] : memref<64x16384xf32, #tpu.memory_space<vmem>>, vector<64x512xf32>
    %transpose3A_47 = tpu.transpose %get3A_46, [1, 0] : vector<64x512xf32> -> vector<512x64xf32>
    %get3A_48 = arith.constant 0 : index
    %get3A_49 = arith.constant 4608 : index
    %get3A_50 = vector.load %arg1[%get3A_48, %get3A_49] : memref<64x16384xf32, #tpu.memory_space<vmem>>, vector<64x512xf32>
    %transpose3A_51 = tpu.transpose %get3A_50, [1, 0] : vector<64x512xf32> -> vector<512x64xf32>
    %concatenate3A_52 = tpu.concatenate %transpose3A_47, %transpose3A_51 in 1 : vector<512x64xf32>, vector<512x64xf32> -> vector<512x128xf32>
    %swap3A_53 = arith.constant 2048 : index
    %swap3A_54 = arith.constant 0 : index
    %swap3A_55 = vector.load %arg2[%swap3A_53, %swap3A_54] : memref<8192x128xf32, #tpu.memory_space<vmem>>, vector<512x128xf32>
    tpu.vector_store %arg2[%swap3A_53, %swap3A_54], %concatenate3A_52 {strides = array<i32>} : memref<8192x128xf32, #tpu.memory_space<vmem>>, vector<512x128xf32>,
    %get3A_56 = arith.constant 0 : index
    %get3A_57 = arith.constant 5120 : index
    %get3A_58 = vector.load %arg1[%get3A_56, %get3A_57] : memref<64x16384xf32, #tpu.memory_space<vmem>>, vector<64x512xf32>
    %transpose3A_59 = tpu.transpose %get3A_58, [1, 0] : vector<64x512xf32> -> vector<512x64xf32>
    %get3A_60 = arith.constant 0 : index
    %get3A_61 = arith.constant 5632 : index
    %get3A_62 = vector.load %arg1[%get3A_60, %get3A_61] : memref<64x16384xf32, #tpu.memory_space<vmem>>, vector<64x512xf32>
    %transpose3A_63 = tpu.transpose %get3A_62, [1, 0] : vector<64x512xf32> -> vector<512x64xf32>
    %concatenate3A_64 = tpu.concatenate %transpose3A_59, %transpose3A_63 in 1 : vector<512x64xf32>, vector<512x64xf32> -> vector<512x128xf32>
    %swap3A_65 = arith.constant 2560 : index
    %swap3A_66 = arith.constant 0 : index
    %swap3A_67 = vector.load %arg2[%swap3A_65, %swap3A_66] : memref<8192x128xf32, #tpu.memory_space<vmem>>, vector<512x128xf32>
    tpu.vector_store %arg2[%swap3A_65, %swap3A_66], %concatenate3A_64 {strides = array<i32>} : memref<8192x128xf32, #tpu.memory_space<vmem>>, vector<512x128xf32>,
    %get3A_68 = arith.constant 0 : index
    %get3A_69 = arith.constant 6144 : index
    %get3A_70 = vector.load %arg1[%get3A_68, %get3A_69] : memref<64x16384xf32, #tpu.memory_space<vmem>>, vector<64x512xf32>
    %transpose3A_71 = tpu.transpose %get3A_70, [1, 0] : vector<64x512xf32> -> vector<512x64xf32>
    %get3A_72 = arith.constant 0 : index
    %get3A_73 = arith.constant 6656 : index
    %get3A_74 = vector.load %arg1[%get3A_72, %get3A_73] : memref<64x16384xf32, #tpu.memory_space<vmem>>, vector<64x512xf32>
    %transpose3A_75 = tpu.transpose %get3A_74, [1, 0] : vector<64x512xf32> -> vector<512x64xf32>
    %concatenate3A_76 = tpu.concatenate %transpose3A_71, %transpose3A_75 in 1 : vector<512x64xf32>, vector<512x64xf32> -> vector<512x128xf32>
    %swap3A_77 = arith.constant 3072 : index
    %swap3A_78 = arith.constant 0 : index
    %swap3A_79 = vector.load %arg2[%swap3A_77, %swap3A_78] : memref<8192x128xf32, #tpu.memory_space<vmem>>, vector<512x128xf32>
    tpu.vector_store %arg2[%swap3A_77, %swap3A_78], %concatenate3A_76 {strides = array<i32>} : memref<8192x128xf32, #tpu.memory_space<vmem>>, vector<512x128xf32>,
    %get3A_80 = arith.constant 0 : index
    %get3A_81 = arith.constant 7168 : index
    %get3A_82 = vector.load %arg1[%get3A_80, %get3A_81] : memref<64x16384xf32, #tpu.memory_space<vmem>>, vector<64x512xf32>
    %transpose3A_83 = tpu.transpose %get3A_82, [1, 0] : vector<64x512xf32> -> vector<512x64xf32>
    %get3A_84 = arith.constant 0 : index
    %get3A_85 = arith.constant 7680 : index
    %get3A_86 = vector.load %arg1[%get3A_84, %get3A_85] : memref<64x16384xf32, #tpu.memory_space<vmem>>, vector<64x512xf32>
    %transpose3A_87 = tpu.transpose %get3A_86, [1, 0] : vector<64x512xf32> -> vector<512x64xf32>
    %concatenate3A_88 = tpu.concatenate %transpose3A_83, %transpose3A_87 in 1 : vector<512x64xf32>, vector<512x64xf32> -> vector<512x128xf32>
    %swap3A_89 = arith.constant 3584 : index
    %swap3A_90 = arith.constant 0 : index
    %swap3A_91 = vector.load %arg2[%swap3A_89, %swap3A_90] : memref<8192x128xf32, #tpu.memory_space<vmem>>, vector<512x128xf32>
    tpu.vector_store %arg2[%swap3A_89, %swap3A_90], %concatenate3A_88 {strides = array<i32>} : memref<8192x128xf32, #tpu.memory_space<vmem>>, vector<512x128xf32>,
    %get3A_92 = arith.constant 0 : index
    %get3A_93 = arith.constant 8192 : index
    %get3A_94 = vector.load %arg1[%get3A_92, %get3A_93] : memref<64x16384xf32, #tpu.memory_space<vmem>>, vector<64x512xf32>
    %transpose3A_95 = tpu.transpose %get3A_94, [1, 0] : vector<64x512xf32> -> vector<512x64xf32>
    %get3A_96 = arith.constant 0 : index
    %get3A_97 = arith.constant 8704 : index
    %get3A_98 = vector.load %arg1[%get3A_96, %get3A_97] : memref<64x16384xf32, #tpu.memory_space<vmem>>, vector<64x512xf32>
    %transpose3A_99 = tpu.transpose %get3A_98, [1, 0] : vector<64x512xf32> -> vector<512x64xf32>
    %concatenate3A_100 = tpu.concatenate %transpose3A_95, %transpose3A_99 in 1 : vector<512x64xf32>, vector<512x64xf32> -> vector<512x128xf32>
    %swap3A_101 = arith.constant 4096 : index
    %swap3A_102 = arith.constant 0 : index
    %swap3A_103 = vector.load %arg2[%swap3A_101, %swap3A_102] : memref<8192x128xf32, #tpu.memory_space<vmem>>, vector<512x128xf32>
    tpu.vector_store %arg2[%swap3A_101, %swap3A_102], %concatenate3A_100 {strides = array<i32>} : memref<8192x128xf32, #tpu.memory_space<vmem>>, vector<512x128xf32>,
    %get3A_104 = arith.constant 0 : index
    %get3A_105 = arith.constant 9216 : index
    %get3A_106 = vector.load %arg1[%get3A_104, %get3A_105] : memref<64x16384xf32, #tpu.memory_space<vmem>>, vector<64x512xf32>
    %transpose3A_107 = tpu.transpose %get3A_106, [1, 0] : vector<64x512xf32> -> vector<512x64xf32>
    %get3A_108 = arith.constant 0 : index
    %get3A_109 = arith.constant 9728 : index
    %get3A_110 = vector.load %arg1[%get3A_108, %get3A_109] : memref<64x16384xf32, #tpu.memory_space<vmem>>, vector<64x512xf32>
    %transpose3A_111 = tpu.transpose %get3A_110, [1, 0] : vector<64x512xf32> -> vector<512x64xf32>
    %concatenate3A_112 = tpu.concatenate %transpose3A_107, %transpose3A_111 in 1 : vector<512x64xf32>, vector<512x64xf32> -> vector<512x128xf32>
    %swap3A_113 = arith.constant 4608 : index
    %swap3A_114 = arith.constant 0 : index
    %swap3A_115 = vector.load %arg2[%swap3A_113, %swap3A_114] : memref<8192x128xf32, #tpu.memory_space<vmem>>, vector<512x128xf32>
    tpu.vector_store %arg2[%swap3A_113, %swap3A_114], %concatenate3A_112 {strides = array<i32>} : memref<8192x128xf32, #tpu.memory_space<vmem>>, vector<512x128xf32>,
    %get3A_116 = arith.constant 0 : index
    %get3A_117 = arith.constant 10240 : index
    %get3A_118 = vector.load %arg1[%get3A_116, %get3A_117] : memref<64x16384xf32, #tpu.memory_space<vmem>>, vector<64x512xf32>
    %transpose3A_119 = tpu.transpose %get3A_118, [1, 0] : vector<64x512xf32> -> vector<512x64xf32>
    %get3A_120 = arith.constant 0 : index
    %get3A_121 = arith.constant 10752 : index
    %get3A_122 = vector.load %arg1[%get3A_120, %get3A_121] : memref<64x16384xf32, #tpu.memory_space<vmem>>, vector<64x512xf32>
    %transpose3A_123 = tpu.transpose %get3A_122, [1, 0] : vector<64x512xf32> -> vector<512x64xf32>
    %concatenate3A_124 = tpu.concatenate %transpose3A_119, %transpose3A_123 in 1 : vector<512x64xf32>, vector<512x64xf32> -> vector<512x128xf32>
    %swap3A_125 = arith.constant 5120 : index
    %swap3A_126 = arith.constant 0 : index
    %swap3A_127 = vector.load %arg2[%swap3A_125, %swap3A_126] : memref<8192x128xf32, #tpu.memory_space<vmem>>, vector<512x128xf32>
    tpu.vector_store %arg2[%swap3A_125, %swap3A_126], %concatenate3A_124 {strides = array<i32>} : memref<8192x128xf32, #tpu.memory_space<vmem>>, vector<512x128xf32>,
    %get3A_128 = arith.constant 0 : index
    %get3A_129 = arith.constant 11264 : index
    %get3A_130 = vector.load %arg1[%get3A_128, %get3A_129] : memref<64x16384xf32, #tpu.memory_space<vmem>>, vector<64x512xf32>
    %transpose3A_131 = tpu.transpose %get3A_130, [1, 0] : vector<64x512xf32> -> vector<512x64xf32>
    %get3A_132 = arith.constant 0 : index
    %get3A_133 = arith.constant 11776 : index
    %get3A_134 = vector.load %arg1[%get3A_132, %get3A_133] : memref<64x16384xf32, #tpu.memory_space<vmem>>, vector<64x512xf32>
    %transpose3A_135 = tpu.transpose %get3A_134, [1, 0] : vector<64x512xf32> -> vector<512x64xf32>
    %concatenate3A_136 = tpu.concatenate %transpose3A_131, %transpose3A_135 in 1 : vector<512x64xf32>, vector<512x64xf32> -> vector<512x128xf32>
    %swap3A_137 = arith.constant 5632 : index
    %swap3A_138 = arith.constant 0 : index
    %swap3A_139 = vector.load %arg2[%swap3A_137, %swap3A_138] : memref<8192x128xf32, #tpu.memory_space<vmem>>, vector<512x128xf32>
    tpu.vector_store %arg2[%swap3A_137, %swap3A_138], %concatenate3A_136 {strides = array<i32>} : memref<8192x128xf32, #tpu.memory_space<vmem>>, vector<512x128xf32>,
    %get3A_140 = arith.constant 0 : index
    %get3A_141 = arith.constant 12288 : index
    %get3A_142 = vector.load %arg1[%get3A_140, %get3A_141] : memref<64x16384xf32, #tpu.memory_space<vmem>>, vector<64x512xf32>
    %transpose3A_143 = tpu.transpose %get3A_142, [1, 0] : vector<64x512xf32> -> vector<512x64xf32>
    %get3A_144 = arith.constant 0 : index
    %get3A_145 = arith.constant 12800 : index
    %get3A_146 = vector.load %arg1[%get3A_144, %get3A_145] : memref<64x16384xf32, #tpu.memory_space<vmem>>, vector<64x512xf32>
    %transpose3A_147 = tpu.transpose %get3A_146, [1, 0] : vector<64x512xf32> -> vector<512x64xf32>
    %concatenate3A_148 = tpu.concatenate %transpose3A_143, %transpose3A_147 in 1 : vector<512x64xf32>, vector<512x64xf32> -> vector<512x128xf32>
    %swap3A_149 = arith.constant 6144 : index
    %swap3A_150 = arith.constant 0 : index
    %swap3A_151 = vector.load %arg2[%swap3A_149, %swap3A_150] : memref<8192x128xf32, #tpu.memory_space<vmem>>, vector<512x128xf32>
    tpu.vector_store %arg2[%swap3A_149, %swap3A_150], %concatenate3A_148 {strides = array<i32>} : memref<8192x128xf32, #tpu.memory_space<vmem>>, vector<512x128xf32>,
    %get3A_152 = arith.constant 0 : index
    %get3A_153 = arith.constant 13312 : index
    %get3A_154 = vector.load %arg1[%get3A_152, %get3A_153] : memref<64x16384xf32, #tpu.memory_space<vmem>>, vector<64x512xf32>
    %transpose3A_155 = tpu.transpose %get3A_154, [1, 0] : vector<64x512xf32> -> vector<512x64xf32>
    %get3A_156 = arith.constant 0 : index
    %get3A_157 = arith.constant 13824 : index
    %get3A_158 = vector.load %arg1[%get3A_156, %get3A_157] : memref<64x16384xf32, #tpu.memory_space<vmem>>, vector<64x512xf32>
    %transpose3A_159 = tpu.transpose %get3A_158, [1, 0] : vector<64x512xf32> -> vector<512x64xf32>
    %concatenate3A_160 = tpu.concatenate %transpose3A_155, %transpose3A_159 in 1 : vector<512x64xf32>, vector<512x64xf32> -> vector<512x128xf32>
    %swap3A_161 = arith.constant 6656 : index
    %swap3A_162 = arith.constant 0 : index
    %swap3A_163 = vector.load %arg2[%swap3A_161, %swap3A_162] : memref<8192x128xf32, #tpu.memory_space<vmem>>, vector<512x128xf32>
    tpu.vector_store %arg2[%swap3A_161, %swap3A_162], %concatenate3A_160 {strides = array<i32>} : memref<8192x128xf32, #tpu.memory_space<vmem>>, vector<512x128xf32>,
    %get3A_164 = arith.constant 0 : index
    %get3A_165 = arith.constant 14336 : index
    %get3A_166 = vector.load %arg1[%get3A_164, %get3A_165] : memref<64x16384xf32, #tpu.memory_space<vmem>>, vector<64x512xf32>
    %transpose3A_167 = tpu.transpose %get3A_166, [1, 0] : vector<64x512xf32> -> vector<512x64xf32>
    %get3A_168 = arith.constant 0 : index
    %get3A_169 = arith.constant 14848 : index
    %get3A_170 = vector.load %arg1[%get3A_168, %get3A_169] : memref<64x16384xf32, #tpu.memory_space<vmem>>, vector<64x512xf32>
    %transpose3A_171 = tpu.transpose %get3A_170, [1, 0] : vector<64x512xf32> -> vector<512x64xf32>
    %concatenate3A_172 = tpu.concatenate %transpose3A_167, %transpose3A_171 in 1 : vector<512x64xf32>, vector<512x64xf32> -> vector<512x128xf32>
    %swap3A_173 = arith.constant 7168 : index
    %swap3A_174 = arith.constant 0 : index
    %swap3A_175 = vector.load %arg2[%swap3A_173, %swap3A_174] : memref<8192x128xf32, #tpu.memory_space<vmem>>, vector<512x128xf32>
    tpu.vector_store %arg2[%swap3A_173, %swap3A_174], %concatenate3A_172 {strides = array<i32>} : memref<8192x128xf32, #tpu.memory_space<vmem>>, vector<512x128xf32>,
    %get3A_176 = arith.constant 0 : index
    %get3A_177 = arith.constant 15360 : index
    %get3A_178 = vector.load %arg1[%get3A_176, %get3A_177] : memref<64x16384xf32, #tpu.memory_space<vmem>>, vector<64x512xf32>
    %transpose3A_179 = tpu.transpose %get3A_178, [1, 0] : vector<64x512xf32> -> vector<512x64xf32>
    %get3A_180 = arith.constant 0 : index
    %get3A_181 = arith.constant 15872 : index
    %get3A_182 = vector.load %arg1[%get3A_180, %get3A_181] : memref<64x16384xf32, #tpu.memory_space<vmem>>, vector<64x512xf32>
    %transpose3A_183 = tpu.transpose %get3A_182, [1, 0] : vector<64x512xf32> -> vector<512x64xf32>
    %concatenate3A_184 = tpu.concatenate %transpose3A_179, %transpose3A_183 in 1 : vector<512x64xf32>, vector<512x64xf32> -> vector<512x128xf32>
    %swap3A_185 = arith.constant 7680 : index
    %swap3A_186 = arith.constant 0 : index
    %swap3A_187 = vector.load %arg2[%swap3A_185, %swap3A_186] : memref<8192x128xf32, #tpu.memory_space<vmem>>, vector<512x128xf32>
    tpu.vector_store %arg2[%swap3A_185, %swap3A_186], %concatenate3A_184 {strides = array<i32>} : memref<8192x128xf32, #tpu.memory_space<vmem>>, vector<512x128xf32>,
    return
  }
  func.func @transform_0(%arg0: i32) -> (i32, i32) {
    %c0_i32 = arith.constant 0 : i32
    %c0_i32_0 = arith.constant 0 : i32
    return %c0_i32, %arg0 : i32, i32
  }
  func.func @transform_1(%arg0: i32) -> (i32, i32) {
    %c0_i32 = arith.constant 0 : i32
    %c0_i32_0 = arith.constant 0 : i32
    return %arg0, %c0_i32 : i32, i32
  }
}

module attributes {stable_mosaic.version = 14 : i64} {
  func.func @_mm_body(%arg0: i32, %arg1: i32, %arg2: memref<1024x64xf32, #tpu.memory_space<vmem>>, %arg3: memref<2048x64xf32, #tpu.memory_space<vmem>>, %arg4: memref<1024x2048xf32, #tpu.memory_space<vmem>>) attributes {dimension_semantics = [#tpu.dimension_semantics<arbitrary>, #tpu.dimension_semantics<arbitrary>], iteration_bounds = array<i64: 4, 2>, scalar_prefetch = 0 : i64, scratch_operands = 0 : i64, tpu.core_type = #tpu.core_type<tc>, window_params = [{transform_indices = @transform_0, window_bounds = array<i64: 1024, 64>}, {transform_indices = @transform_1, window_bounds = array<i64: 2048, 64>}, {transform_indices = @transform_2, window_bounds = array<i64: 1024, 2048>}]} {
    %get3A = arith.constant 0 : index
    %get3A_0 = arith.constant 0 : index
    %get3A_1 = vector.load %arg2[%get3A, %get3A_0] : memref<1024x64xf32, #tpu.memory_space<vmem>>, vector<1024x64xf32>
    %get3A_2 = arith.constant 0 : index
    %get3A_3 = arith.constant 0 : index
    %get3A_4 = vector.load %arg3[%get3A_2, %get3A_3] : memref<2048x64xf32, #tpu.memory_space<vmem>>, vector<2048x64xf32>
    %dot_general3A = arith.constant dense<0.000000e+00> : vector<1024x2048xf32>
    %dot_general3A_5 = tpu.matmul %get3A_1, %get3A_4, %dot_general3A {dimension_numbers = #tpu.dot_dimension_numbers<[1], [1], [0], [0], [0, 0, 1, 0], [], []>, transpose_lhs_hint = false} : vector<1024x64xf32>, vector<2048x64xf32>, vector<1024x2048xf32> -> vector<1024x2048xf32>
    %swap3A = arith.constant 0 : index
    %swap3A_6 = arith.constant 0 : index
    %swap3A_7 = vector.load %arg4[%swap3A, %swap3A_6] : memref<1024x2048xf32, #tpu.memory_space<vmem>>, vector<1024x2048xf32>
    tpu.vector_store %arg4[%swap3A, %swap3A_6], %dot_general3A_5 {strides = array<i32>} : memref<1024x2048xf32, #tpu.memory_space<vmem>>, vector<1024x2048xf32>,
    return
  }
  func.func @transform_0(%arg0: i32, %arg1: i32) -> (i32, i32) {
    %c0_i32 = arith.constant 0 : i32
    %c0_i32_0 = arith.constant 0 : i32
    return %arg0, %c0_i32 : i32, i32
  }
  func.func @transform_1(%arg0: i32, %arg1: i32) -> (i32, i32) {
    %c0_i32 = arith.constant 0 : i32
    %c0_i32_0 = arith.constant 0 : i32
    return %arg1, %c0_i32 : i32, i32
  }
  func.func @transform_2(%arg0: i32, %arg1: i32) -> (i32, i32) {
    %c0_i32 = arith.constant 0 : i32
    return %arg0, %arg1 : i32, i32
  }
}

</mosaic_0001>

<sc_bundles>
// kernel: kernel.6.cloned.1.call-start
scs
__scs_entry_jumppad:
0x0: {  	(pc) =	sbr.rel $0x88, $3  }
0x1: {  	(tag) =	ssettag $0x0;
	lr =	simm.s32 $0x1  }
0x2: {  	[smem:$0x3F9C] =	sst lr;
	_ =	strace $0xD0000000  }
0x3: {  	_ = 	snop  }
0x4: {  	_ = 	snop  }
0x5: {  	_ = 	snop  }
0x6: {  	_ = 	snop  }
0x7: {  	_ = 	snop  }
__scs_overlays_trampoline_lowered:
0x8: {  	[smem:$0x3FAB] =	sst s0  }
0x9: {  	[smem:$0x3FAC] =	sst s1  }
0xa: {  	[smem:$0x3FAD] =	sst s2  }
0xb: {  	[smem:$0x3FAE] =	sst s3  }
0xc: {  	[smem:$0x3FAF] =	sst s4  }
0xd: {  	[smem:$0x3FB0] =	sst s5  }
0xe: {  	[smem:$0x3FB1] =	sst s6  }
0xf: {  	[smem:$0x3FB2] =	sst s7  }
0x10: {  	[smem:$0x3FB3] =	sst s8  }
0x11: {  	[smem:$0x3FB4] =	sst s9;
	s0 =	simm.s32 @!p0 $0x0  }
0x12: {  	s1 =	sld [smem:$0x3F9A];
	s0 =	simm.s32 @p0 $0x1  }
0x13: {  	[smem:$0x3FB5] =	sst s0;
	s0 =	simm.s32 @!p1 $0x0  }
0x14: {  	s2 =	sld [smem:$0x3F99];
	s0 =	simm.s32 @p1 $0x1  }
0x15: {  	[smem:$0x3FB6] =	sst s0;
	s0 =	simm.s32 @!p2 $0x0  }
0x16: {  	s3 =	sld [smem:$0x3FDB];
	s0 =	simm.s32 @p2 $0x1  }
0x17: {  	s4 =	simm.s32 $0x1BF5;
	[smem:$0x3FB8] =	sst s0  }
0x18: {  	s0 =	sld [smem:$0x3F9B];
	_ =	swait.ge [sflag:s4], $0x0  }
0x19: {  	s7 =	sld [smem:$0x3F9C]  }
0x1a: {  	s8 =	sadd.s32 $0xFFFFE003, lr  }
0x1b: {  	s9 =	sadd.s32 $0xFFFFFEF7, lr;
	s5 =	simm.s32 $0xFFFFFFFF;
	p2 =	slt.u32 s8, $0xFFFFF086  }
0x1c: {  	p1 =	slt.u32 s9, $0xF7A;
	s5 =	simm.s32 @!p2 $0x0  }
0x1d: {  	s5 =	simm.s32 @p1 $0x1;
	p0 =	seq.s32 s7, s2  }
0x1e: {  	s7 =	smul.u32 @!p0 $0xF7A, s2;
	p2 =	seq.s32 @!p0 s5, $0x0  }
0x1f: {  	s9 =	smul.u32 $0xF7A, s1;
	s8 =	simm.s32 @!p0 $0x1BF5;
	p2 =	por !p2, p0  }
0x20: {  	[sflag:s8] =	ssyncset.s32 @!p0 $0xFFFFF086;
	s6 =	sadd.s32 @!p0 s3, s7;
	s7 =	simm.s32 @!p0 $0x108  }
0x21: {  	s3 =	sadd.s32 s3, s9;
	s6 =	sadd.s32 @!p0 $0x88, s6;
	s7 =	simm.s32 @p2 $0x1082  }
0x22: {  	[simem:s7], [sflag:s8] =	dma.local @!p0 [hbm:s6], $0xF7A  }
0x23: {  	s9 =	sor.u32 $0xD0000000, s2;
	s6 =	simm.s32 $0x108;
	_ =	swait.ge @!p0 [sflag:s8], $0x0  }
0x24: {  	s3 =	sadd.s32 $0x88, s3;
	s6 =	simm.s32 @!p1 $0x1082;
	[sflag:s4] =	ssyncset.s32 $0xFFFFF086  }
0x25: {  	[simem:s6], [sflag:s4] =	dma.local [hbm:s3], $0xF7A  }
0x26: {  	[smem:$0x3F9C] =	sst s1;
	(tag) =	ssettag s2;
	_ =	strace s9  }
0x27: {  	s1 =	sld [smem:$0x3FAC]  }
0x28: {  	s2 =	sld [smem:$0x3FAD]  }
0x29: {  	s4 =	sld [smem:$0x3FAF]  }
0x2a: {  	p0 =	seq.s32 s5, $0x0;
	s5 =	sld [smem:$0x3FB0]  }
0x2b: {  	s6 =	sld [smem:$0x3FB1]  }
0x2c: {  	s7 =	sld [smem:$0x3FB2]  }
0x2d: {  	s3 =	simm.s32 $0x108;
	s8 =	sld [smem:$0x3FB3]  }
0x2e: {  	s3 =	simm.s32 @!p0 $0x1082;
	s9 =	sld [smem:$0x3FB4]  }
0x2f: {  	lr =	sadd.s32 s0, s3;
	s0 =	sld [smem:$0x3FAB]  }
0x30: {  	s3 =	sld [smem:$0x3FAE]  }
0x31: {  	[smem:$0x3FB7] =	sst s10  }
0x32: {  	s10 =	sld [smem:$0x3FB5];
	_ =	sdelay $0x3  }
0x33: {  	p0 =	seq.s32 s10, $0x1;
	s10 =	sld [smem:$0x3FB7];
	_ =	sdelay $0x3  }
0x34: {  	[smem:$0x3FB7] =	sst s10  }
0x35: {  	s10 =	sld [smem:$0x3FB6];
	_ =	sdelay $0x3  }
0x36: {  	p1 =	seq.s32 s10, $0x1;
	s10 =	sld [smem:$0x3FB7];
	_ =	sdelay $0x3  }
0x37: {  	[smem:$0x3FB7] =	sst s10  }
0x38: {  	s10 =	sld [smem:$0x3FB8]  }
0x39: {  	_ = 	snop;
	(pc) =	sbr.ind lr, $3  }
0x3a: {  	_ = 	snop  }
0x3b: {  	_ = 	snop  }
0x3c: {  	p2 =	seq.s32 s10, $0x1;
	s10 =	sld [smem:$0x3FB7]  }
0x3d: {  	_ =	shalt  }
0x3e: {  	_ =	shalt  }
0x3f: {  	_ =	shalt  }
0x40: {  	_ =	shalt  }
0x41: {  	_ =	shalt  }
0x42: {  	_ =	shalt  }
0x43: {  	_ =	shalt  }
0x44: {  	_ =	shalt  }
0x45: {  	_ =	shalt  }
0x46: {  	_ =	shalt  }
0x47: {  	_ =	shalt  }
0x48: {  	_ =	shalt  }
0x49: {  	_ =	shalt  }
0x4a: {  	_ =	shalt  }
0x4b: {  	_ =	shalt  }
0x4c: {  	_ =	shalt  }
0x4d: {  	_ =	shalt  }
0x4e: {  	_ =	shalt  }
0x4f: {  	_ =	shalt  }
0x50: {  	_ =	shalt  }
0x51: {  	_ =	shalt  }
0x52: {  	_ =	shalt  }
0x53: {  	_ =	shalt  }
0x54: {  	_ =	shalt  }
0x55: {  	_ =	shalt  }
0x56: {  	_ =	shalt  }
0x57: {  	_ =	shalt  }
0x58: {  	_ =	shalt  }
0x59: {  	_ =	shalt  }
0x5a: {  	_ =	shalt  }
0x5b: {  	_ =	shalt  }
0x5c: {  	_ =	shalt  }
0x5d: {  	_ =	shalt  }
0x5e: {  	_ =	shalt  }
0x5f: {  	_ =	shalt  }
0x60: {  	_ =	shalt  }
0x61: {  	_ =	shalt  }
0x62: {  	_ =	shalt  }
0x63: {  	_ =	shalt  }
0x64: {  	_ =	shalt  }
0x65: {  	_ =	shalt  }
0x66: {  	_ =	shalt  }
0x67: {  	_ =	shalt  }
0x68: {  	_ =	shalt  }
0x69: {  	_ =	shalt  }
0x6a: {  	_ =	shalt  }
0x6b: {  	_ =	shalt  }
0x6c: {  	_ =	shalt  }
0x6d: {  	_ =	shalt  }
0x6e: {  	_ =	shalt  }
0x6f: {  	_ =	shalt  }
0x70: {  	_ =	shalt  }
0x71: {  	_ =	shalt  }
0x72: {  	_ =	shalt  }
0x73: {  	_ =	shalt  }
0x74: {  	_ =	shalt  }
0x75: {  	_ =	shalt  }
0x76: {  	_ =	shalt  }
0x77: {  	_ =	shalt  }
0x78: {  	_ =	shalt  }
0x79: {  	_ =	shalt  }
0x7a: {  	_ =	shalt  }
0x7b: {  	_ =	shalt  }
0x7c: {  	_ =	shalt  }
0x7d: {  	_ =	shalt  }
0x7e: {  	_ =	shalt  }
0x7f: {  	_ =	shalt  }
0x80: {  	_ =	shalt  }
0x81: {  	_ =	shalt  }
0x82: {  	_ =	shalt  }
0x83: {  	_ =	shalt  }
0x84: {  	_ =	shalt  }
0x85: {  	_ =	shalt  }
0x86: {  	_ =	shalt  }
0x87: {  	_ =	shalt  }
.Lfunc_end0:
.L_simem_size_0:
called_computation_lowered:
.L_overlay_start_0:
0x88: {  	s2 =	sld [smem:$0x3FD9]  }
0x89: {  	s3 =	sld [smem:$0x3FFE];
	_ =	sdelay $0x1  }
0x8a: {  	s1 =	srdreg.scid  }
0x8b: {  	s0 =	sand.u32 $0x1, s1  }
0x8c: {  	s17 =	sshll.u32 s0, $0xA;
	s2 =	sadd.s32 s3, s2  }
0x8d: {  	s2 =	sadd.s32 s2, s17  }
0x8e: {  	[smem:$0x3FC3] =	sst s2  }
0x8f: {  	_ = 	snop  }
0x90: {  	s2 =	sld [smem:$0x3FC9]  }
0x91: {  	s18 =	sld [smem:$0x3FC7]  }
0x92: {  	s4 =	sld [smem:$0x3FD0];
	(tm) =	ssettm $0x1  }
0x93: {  	s5 =	sld [smem:$0x3FFB];
	_ =	sdelay $0x3  }
0x94: {  	_ =	strace s5  }
0x95: {  	s5 =	sld [smem:$0x3FFC];
	_ =	sdelay $0x3  }
0x96: {  	_ =	strace s5  }
0x97: {  	s5 =	sld [smem:$0x3FFD];
	_ =	sdelay $0x3  }
0x98: {  	_ =	strace s5  }
0x99: {  	_ =	strace $0x8FFFFFFF  }
0x9a: {  	s19 =	sld [smem:$0x3FDB];
	_ =	sdelay $0x1  }
0x9b: {  	s6 =	simm.s32 $_scs_section_size  }
0x9c: {  	s7 =	simm.s32 $_size__tile_overlayer_lowered;
	s8 =	simm.s32 $_tile_overlayer_lowered  }
0x9d: {  	s22 =	simm.s32 $0x1BFF;
	s21 =	sshll.u32 s8, $0x1;
	s5 =	sadd.s32 s6, s19  }
0x9e: {  	s9 =	simm.s32 $0x0;
	s20 =	sshll.u32 s7, $0x1;
	s7 =	sadd.s32 s21, s5  }
0x9f: {  	[timem:s9], [sflag:s22] =	dma.local [hbm:s7], s20  }
0xa0: {  	_ =	swait.ge [sflag:s22], s20  }
0xa1: {  	s6 =	ssub.s32 $0x0, s20;
	[sflag:s22] =	ssyncset.done $0x0  }
0xa2: {  	[sflag:s22] =	ssyncadd.s32 s6;
	_ =	sdelay $0x1  }
0xa3: {  	s23 =	simm.s32 $0x1B8B  }
0xa4: {  	_ =	swait.ge [sflag:s23], $0x1  }
0xa5: {  	[sflag:s23] =	ssyncset.done $0x0  }
0xa6: {  	s25 =	simm.s32 $0x1B8E;
	s24 =	sld [smem:$0x3FFE];
	[sflag:s23] =	ssyncadd.s32 $0xFFFFFFFF  }
0xa7: {  	s26 =	simm.s32 $execute0_lowered;
	[smem:$0x3FD2] =	sst s25  }
0xa8: {  	s7 =	sshll.u32 s26, $0x1;
	_ =	strace $0x80000046;
	[dreg:$0x1] =	wrdreg $0xFFFFFFFF  }
0xa9: {  	s28 =	simm.s32 $_size_execute0_lowered;
	s5 =	sadd.s32 s5, s7;
	[dreg:$0x0] =	wrdreg $0x0  }
0xaa: {  	s7 =	sshll.u32 s28, $0x1;
	[dreg:$0x2] =	wrdreg s5  }
0xab: {  	[dreg:$0x3] =	wrdreg s7  }
0xac: {  	[dreg:$0x4] =	wrdreg $0xC0  }
0xad: {  	_ =	task [dreg:s9], $0x5FFFF  }
0xae: {  	[dreg:$0x1] =	wrdreg $0xFFFFFFFF  }
0xaf: {  	[dreg:$0x0] =	wrdreg $0x60  }
0xb0: {  	[dreg:$0x2] =	wrdreg s24  }
0xb1: {  	[dreg:$0x3] =	wrdreg s2  }
0xb2: {  	[dreg:$0x4] =	wrdreg s18  }
0xb3: {  	[dreg:$0x5] =	wrdreg s4  }
0xb4: {  	[dreg:$0x6] =	wrdreg $0x9  }
0xb5: {  	_ =	task.clear_ibuf [dreg:s9], $0x7FFFF;
	_ =	strace $0x90000046  }
0xb6: {  	s29 =	simm.s32 $0x9;
	_ =	strace $0x80000048  }
0xb7: {  	_ =	swait.ge [sflag:s29], $0x1  }
0xb8: {  	[sflag:s29] =	ssyncadd.s32 $0xFFFFFFFF  }
0xb9: {  	_ =	strace $0x90000048  }
0xba: {  	_ =	sfence  }
0xbb: {  	s30 =	sld [smem:$0x0];
	_ =	sdelay $0x2  }
0xbc: {  	s31 =	sshll.u32 s1, $0xD;
	s1 =	sshrl.u32 s1, $0x2  }
0xbd: {  	s3 =	sand.u32 $0x4000, s31;
	s1 =	sadd.s32 s1, s30  }
0xbe: {  	s0 =	sor.u32 s3, s0;
	s1 =	sshll.u32 s1, $0x11  }
0xbf: {  	s0 =	sor.u32 s1, s0  }
0xc0: {  	s0 =	sadd.s32 $0x8F2B, s0  }
0xc1: {  	[sflag:s0] =	ssyncadd.remote.s32 $0x1  }
0xc2: {  	_ =	sfence.sel $0xFFFF  }
0xc3: {  	[dreg:$0x0] =	wrdreg $0xFFFFFFFF;
	(pc) =	sbr.abs _section_cstart, $3  }
0xc4: {  	[dreg:$0x1] =	wrdreg $0xFFFFFFFF  }
0xc5: {  	_ =	task.clear_ibuf [dreg:s9], $0x2FFFF;
	_ =	strace $0x9FFFFFFF  }
0xc6: {  	(tm) =	ssettm $0x7FFFFFFF  }
0xc7: {  	_ =	shalt  }
tec
execute0_lowered:
.L_overlay_start_1:
0x0: {  	(tag) =	ssettag $0x1  }
0x1: {  	s0 =	rddreg [dreg:$0x0]  }
0x2: {  	s1 =	simm.s32 $0x0;
	s26 =	srdreg.scid;
	s4 =	stileid.u32  }
0x3: {  	s5 =	simm.s32 $0x7E0;
	[smem:$0x7FF] =	sst s1;
	s2 =	sadd.s32 $0x800, s0  }
0x4: {  	s28 =	sadd.s32 $0x3000, s0;
	s1 =	sand.u32 $0x1, s26;
	s29 =	sadd.s32 $0x7CB000, s0  }
0x5: {  	s4 =	sshll.u32 s4, $0x8;
	_ =	strace $0x80000047;
	[dreg:$0x5] =	wrdreg s2  }
0x6: {  	s0 =	sadd.s32 $0x7C3000, s0;
	[dreg:$0x6] =	wrdreg s28;
	s30 =	ssub.s32 $0x2, s1  }
0x7: {  	[dreg:$0x7] =	wrdreg s29;
	s1 =	sshll.u32 s1, $0x7;
	s3 =	sshrl.u32 s30, $0x1  }
0x8: {  	[dreg:$0x8] =	wrdreg s0;
	s1 =	sor.u32 s1, s4;
	s31 =	ssub.s32 s30, s3  }
0x9: {  	s4 =	simm.s32 $0x790;
	[dreg:$0x9] =	wrdreg s1;
	s0 =	smax.u32 s31, $0x1  }
0xa: {  	s3 =	simm.s32 $0x4;
	s1 =	simm.s32 $0x0;
	[dreg:$0xa] =	wrdreg s0  }
.LBB2_1:
0xb: {  	[dreg:$0xb] =	wrdreg s1;
	s0 =	simm.s32 $0x0  }
.LBB2_2:
0xc: {  	s25 =	sshll.u32 s0, $0x5;
	s1 =	rddreg [dreg:$0x9]  }
0xd: {  	s2 =	sadd.s32 s1, s25  }
0xe: {  	[dreg:$0xc] =	wrdreg s0;
	s0 =	smul.u32 $0x14, s2  }
0xf: {  	_ = 	snop  }
0x10: {  	s26 =	rddreg [dreg:$0x5];
	s0 =	sshrl.u32 s0, $0x3  }
0x11: {  	s28 =	simm.s32 $0x0;
	s0 =	sadd.s32 s26, s0  }
0x12: {  	[tilespmem:s28], [sflag:$0x4] =	stream.linear.gather [hbm4b:s0+s28], $0x280, $0x38;
	[tilespmem:$0x17830] =	vst v63  }
0x13: {  	_ =	swait.ge [sflag:s3], $0x280  }
0x14: {  	[sflag:s3] =	ssyncset.done $0x0  }
0x15: {  	[sflag:s3] =	ssyncadd.s32 $0xFFFFFD80  }
0x16: {  	s29 =	sshrl.u32 s2, $0x3;
	s30 =	rddreg [dreg:$0x1]  }
0x17: {  	[dreg:$0xd] =	wrdreg s2;
	s2 =	sadd.s32 s30, s29  }
0x18: {  	[tilespmem:s4], [sflag:$0x4] =	stream.linear.gather [hbm4b:s2+s28], $0x20, $0x38;
	[tilespmem:$0x17830] =	vst v63  }
0x19: {  	_ =	swait.ge [sflag:s3], $0x20  }
0x1a: {  	[sflag:s3] =	ssyncset.done $0x0  }
0x1b: {  	[sflag:s3] =	ssyncadd.s32 $0xFFFFFFE0  }
0x1c: {  	s31 =	rddreg [dreg:$0x2]  }
0x1d: {  	s0 =	sadd.s32 s31, s29  }
0x1e: {  	[tilespmem:s5], [sflag:$0x4] =	stream.linear.gather [hbm4b:s0+s28], $0x20, $0x38;
	[tilespmem:$0x17830] =	vst v63  }
0x1f: {  	_ =	swait.ge [sflag:s3], $0x20  }
0x20: {  	[sflag:s3] =	ssyncset.done $0x0  }
0x21: {  	s0 =	simm.s32 $0x0;
	[sflag:s3] =	ssyncadd.s32 $0xFFFFFFE0  }
0x22: {  	v0 =	vld [tilespmem:s0+$0x0]  }
0x23: {  	s1 =	simm.s32 $0x40  }
.LBB2_3:
0x24: {  	_ = 	snop  }
0x25: {  	p0 =	sne.s32 s1, $0x9C0  }
.Ltmp0:
0x26: {  	_ = 	snop;
	(pc) =	sbr.rel @p0 .LBB2_3-.Ltmp0, $4  }
0x27: {  	v1 =	vshra.s32 v0, $0x1;
	v2 =	vshrl.u32 v0, $0x3  }
0x28: {  	s2 =	sshra.s32 s1, $0x2;
	v3 =	vand.u32 $0x1FF, v0;
	v1 =	vand.u32 $0xFFFFFE00, v1;
	v2 =	vand.u32 $0x40, v2  }
0x29: {  	v0 =	vld [tilespmem:s2+$0x0];
	v1 =	vor.u32 v3, v1;
	[tilespmem:s0+$0x500] =	vst v2  }
0x2a: {  	s1 =	sadd.s32 $0x40, s1;
	[tilespmem:s0+$0x280] =	vst v1;
	s0 =	smov.u32 s2  }
0x2b: {  	_ =	sdelay $0x2  }
0x2c: {  	v1 =	vshra.s32 v0, $0x1;
	v2 =	vshrl.u32 v0, $0x3  }
0x2d: {  	v50 =	vand.u32 $0x1FF, v0;
	v1 =	vand.u32 $0xFFFFFE00, v1;
	v2 =	vand.u32 $0x40, v2  }
0x2e: {  	v0 =	vor.u32 v50, v1;
	[tilespmem:s0+$0x500] =	vst v2  }
0x2f: {  	[tilespmem:s0+$0x280] =	vst v0  }
0x30: {  	v0 =	vld [tilespmem:$0x790]  }
0x31: {  	v51 =	vld [tilespmem:$0x7E0];
	_ =	sdelay $0x1  }
0x32: {  	v2 =	vld [tilespmem:$0x7A0];
	_ =	sdelay $0x1  }
0x33: {  	v5 =	vld [tilespmem:$0x7F0];
	v3 =	vshra.s32 v0, $0x1;
	v4 =	vand.u32 $0x1FF, v0;
	v0 =	vshrl.u32 v0, $0x3  }
0x34: {  	v52 =	vshra.s32 v51, $0x1;
	v1 =	vshrl.u32 v51, $0x3;
	v0 =	vand.u32 $0x40, v0  }
0x35: {  	v54 =	vand.u32 $0x1FF, v51;
	v3 =	vand.u32 $0xFFFFFE00, v3;
	v1 =	vand.u32 $0x40, v1;
	[tilespmem:$0x7B0] =	vst v0  }
0x36: {  	v56 =	vshra.s32 v2, $0x1;
	v53 =	vand.u32 $0xFFFFFE00, v52;
	v3 =	vor.u32 v4, v3;
	[tilespmem:$0x800] =	vst v1  }
0x37: {  	v58 =	vand.u32 $0x1FF, v2;
	v57 =	vand.u32 $0xFFFFFE00, v56;
	v55 =	vor.u32 v54, v53;
	[tilespmem:$0x790] =	vst v3  }
0x38: {  	v59 =	vshrl.u32 v2, $0x3;
	v60 =	vshra.s32 v5, $0x1;
	v0 =	vor.u32 v58, v57;
	[tilespmem:$0x7E0] =	vst v55  }
0x39: {  	v62 =	vand.u32 $0x1FF, v5;
	v61 =	vand.u32 $0xFFFFFE00, v60;
	v1 =	vand.u32 $0x40, v59;
	[tilespmem:$0x7A0] =	vst v0  }
0x3a: {  	v63 =	vshrl.u32 v5, $0x3;
	[tilespmem:$0x7C0] =	vst v1;
	v0 =	vor.u32 v62, v61  }
0x3b: {  	s1 =	rddreg [dreg:$0x6];
	v1 =	vand.u32 $0x40, v63;
	[tilespmem:$0x7F0] =	vst v0  }
0x3c: {  	s15 =	simm.s32 $0x80;
	s2 =	simm.s32 $0x280;
	s3 =	simm.s32 $0x830;
	[tilespmem:$0x810] =	vst v1  }
0x3d: {  	[tilespmem:s3], [sflag:$0x1] =	stream.indirect.gather [hbm4b:s1+s15], $0x80, s2, s15, $0xb8;
	[tilespmem:$0x17830] =	vst v63  }
0x3e: {  	s16 =	simm.s32 $0x300;
	s17 =	simm.s32 $0x4830  }
0x3f: {  	[tilespmem:s17], [sflag:$0x1] =	stream.indirect.gather [hbm4b:s1+s15], $0x80, s16, s15, $0xb8;
	[tilespmem:$0x17830] =	vst v63  }
0x40: {  	s18 =	simm.s32 $0x380;
	s19 =	simm.s32 $0x8830  }
0x41: {  	[tilespmem:s19], [sflag:$0x1] =	stream.indirect.gather [hbm4b:s1+s15], $0x80, s18, s15, $0xb8;
	[tilespmem:$0x17830] =	vst v63  }
0x42: {  	s20 =	simm.s32 $0x400;
	s21 =	simm.s32 $0xC830  }
0x43: {  	[tilespmem:s21], [sflag:$0x1] =	stream.indirect.gather [hbm4b:s1+s15], $0x80, s20, s15, $0xb8;
	[tilespmem:$0x17830] =	vst v63  }
0x44: {  	s22 =	simm.s32 $0x480;
	s23 =	simm.s32 $0x10830  }
0x45: {  	[tilespmem:s23], [sflag:$0x1] =	stream.indirect.gather [hbm4b:s1+s15], $0x80, s22, s15, $0xb8;
	[tilespmem:$0x17830] =	vst v63  }
0x46: {  	s24 =	rddreg [dreg:$0x3];
	s25 =	simm.s32 $0x20;
	s26 =	simm.s32 $0x14830  }
0x47: {  	[tilespmem:s26], [sflag:$0x2] =	stream.indirect.gather [hbm4b:s24+s25], $0x80, s4, s25, $0xb8;
	[tilespmem:$0x17830] =	vst v63  }
0x48: {  	s28 =	simm.s32 $0x15830;
	s29 =	simm.s32 $0x1  }
0x49: {  	[tilespmem:s28], [sflag:$0x3] =	stream.indirect.gather [hbm4b:s1+s25], $0x80, s5, s25, $0xb8;
	[tilespmem:$0x17830] =	vst v63  }
0x4a: {  	_ =	swait.ge [sflag:s29], $0x4000  }
0x4b: {  	[sflag:s29] =	ssyncset.done $0x0  }
0x4c: {  	[sflag:s29] =	ssyncadd.s32 $0xFFFFC000  }
0x4d: {  	_ =	swait.ge [sflag:s29], $0x4000  }
0x4e: {  	[sflag:s29] =	ssyncset.done $0x0  }
0x4f: {  	[sflag:s29] =	ssyncadd.s32 $0xFFFFC000  }
0x50: {  	_ =	swait.ge [sflag:s29], $0x4000  }
0x51: {  	[sflag:s29] =	ssyncset.done $0x0  }
0x52: {  	[sflag:s29] =	ssyncadd.s32 $0xFFFFC000  }
0x53: {  	_ =	swait.ge [sflag:s29], $0x4000  }
0x54: {  	[sflag:s29] =	ssyncset.done $0x0  }
0x55: {  	[sflag:s29] =	ssyncadd.s32 $0xFFFFC000  }
0x56: {  	_ =	swait.ge [sflag:s29], $0x4000  }
0x57: {  	[sflag:s29] =	ssyncset.done $0x0  }
0x58: {  	s30 =	simm.s32 $0x2;
	[sflag:s29] =	ssyncadd.s32 $0xFFFFC000  }
0x59: {  	_ =	swait.ge [sflag:s30], $0x1000  }
0x5a: {  	s31 =	simm.s32 $0x3;
	[sflag:s30] =	ssyncset.done $0x0  }
0x5b: {  	s0 =	simm.s32 $0x7B0;
	s17 =	simm.s32 $0x10;
	[sflag:s30] =	ssyncadd.s32 $0xFFFFF000  }
0x5c: {  	s18 =	simm.s32 $0x16850;
	s19 =	simm.s32 $0x17050;
	_ =	swait.ge [sflag:s31], $0x1000  }
0x5d: {  	s20 =	simm.s32 $0x0;
	s21 =	simm.s32 $0x500;
	[sflag:s31] =	ssyncset.done $0x0  }
0x5e: {  	s22 =	simm.s32 $0x0;
	s1 =	simm.s32 $0x800;
	[sflag:s31] =	ssyncadd.s32 $0xFFFFF000  }
.LBB2_5:
0x5f: {  	v0 =	vld [tilespmem:s0+$0x0]  }
0x60: {  	v1 =	vld [tilespmem:s1+$0x0]  }
0x61: {  	v2 =	vld [tilespmem:s21+$0x0];
	_ =	sdelay $0x2  }
0x62: {  	(v2sf) =	vpush v0, $0x0  }
0x63: {  	(v2sf) =	vpush v1, $0x0  }
0x64: {  	(v2sf) =	vpush v2, $0x0  }
0x65: {  	(v2sf) =	vpush v2, $0x1;
	_ =	sdelay $0x1  }
0x66: {  	(v2sf) =	vpush v2, $0x2  }
0x67: {  	(v2sf) =	vpush v2, $0x3;
	_ =	sdelay $0x2  }
0x68: {  	(v2sf) =	vpush v2, $0x4;
	_ =	sdelay $0x1  }
0x69: {  	(v2sf) =	vpush v2, $0x5;
	_ =	sdelay $0x1  }
0x6a: {  	(v2sf) =	vpush v2, $0x6  }
0x6b: {  	[dreg:$0xe] =	wrdreg s0;
	s28 =	sadd.s32 $0xFFFFFFF0, s17;
	(v2sf) =	vpush v2, $0x7  }
0x6c: {  	s29 =	sand.u32 $0x7F8, s17;
	s0 =	sand.u32 $0x4, s28;
	s7 =	spop (v2sf)  }
0x6d: {  	[dreg:$0xf] =	wrdreg s1;
	s0 =	sor.u32 s0, s29;
	(v2sf) =	vpush v2, $0x8;
	s10 =	spop (v2sf)  }
0x6e: {  	s12 =	sshll.u32 s7, $0x2;
	s7 =	sand.u32 $0x7, s7;
	s11 =	spop (v2sf)  }
0x6f: {  	(v2sf) =	vpush v2, $0x9;
	s12 =	sand.u32 $0xFFFFFFE0, s12;
	s7 =	sshll.u32 s7, $0x2;
	s24 =	spop (v2sf)  }
0x70: {  	s28 =	sand.u32 $0x7, s11;
	s11 =	sshll.u32 s11, $0x2;
	s16 =	sor.u32 s7, s12  }
0x71: {  	(v2sf) =	vpush v2, $0xA;
	s25 =	spop (v2sf);
	[dreg:$0x10] =	wrdreg s16;
	s30 =	sand.u32 $0xFFFFFFE0, s11  }
0x72: {  	(v2sf) =	vpush v2, $0xB;
	s31 =	sshll.u32 s28, $0x2;
	s23 =	sadd.s32 s16, s20;
	s26 =	spop (v2sf)  }
0x73: {  	s7 =	sor.u32 s31, s30;
	s16 =	sshra.s32 s23, $0x2;
	s31 =	sand.u32 $0x7, s24  }
0x74: {  	(v2sf) =	vpush v2, $0xC;
	s23 =	sshll.u32 s24, $0x2;
	s28 =	sand.u32 $0x7, s25;
	s25 =	sshll.u32 s25, $0x2  }
0x75: {  	s29 =	spop (v2sf);
	s11 =	sshra.s32 s7, $0x2;
	s7 =	sshra.s32 s22, $0x2  }
0x76: {  	(v2sf) =	vpush v2, $0xD;
	s23 =	sand.u32 $0xFFFFFFE0, s23;
	s31 =	sshll.u32 s31, $0x2;
	s25 =	sand.u32 $0xFFFFFFE0, s25  }
0x77: {  	v41 =	vld [tilespmem:s0+$0x500];
	s3 =	spop (v2sf);
	s24 =	sadd.s32 s7, s11;
	s11 =	sor.u32 s31, s23  }
0x78: {  	(v2sf) =	vpush v2, $0xE;
	s23 =	sshll.u32 s28, $0x2;
	s31 =	sand.u32 $0x7, s26;
	s26 =	sshll.u32 s26, $0x2  }
0x79: {  	s5 =	spop (v2sf);
	s11 =	sshra.s32 s11, $0x2;
	s23 =	sor.u32 s23, s25  }
0x7a: {  	(v2sf) =	vpush v2, $0xF;
	s26 =	sand.u32 $0xFFFFFFE0, s26;
	s31 =	sshll.u32 s31, $0x2;
	s4 =	spop (v2sf)  }
0x7b: {  	s23 =	sshra.s32 s23, $0x2;
	s25 =	sadd.s32 s7, s11;
	s26 =	sor.u32 s31, s26  }
0x7c: {  	(v2sf) =	vpush v41, $0x0;
	s31 =	sshll.u32 s29, $0x2;
	s8 =	spop (v2sf);
	s28 =	sadd.s32 s7, s23  }
0x7d: {  	(v2sf) =	vpush v41, $0x1;
	s11 =	sshra.s32 s26, $0x2;
	s23 =	sand.u32 $0x7, s29;
	s26 =	sand.u32 $0xFFFFFFE0, s31  }
0x7e: {  	s31 =	sand.u32 $0x7, s3;
	s3 =	sshll.u32 s3, $0x2;
	s6 =	spop (v2sf)  }
0x7f: {  	(v2sf) =	vpush v41, $0x2;
	s29 =	sadd.s32 s7, s11;
	s23 =	sshll.u32 s23, $0x2;
	s3 =	sand.u32 $0xFFFFFFE0, s3  }
0x80: {  	s9 =	spop (v2sf);
	s11 =	sor.u32 s23, s26;
	s23 =	sshll.u32 s31, $0x2  }
0x81: {  	v42 =	vld [tilespmem:s16+$0x14830];
	s26 =	sand.u32 $0x7, s5;
	s5 =	sshll.u32 s5, $0x2;
	s14 =	spop (v2sf)  }
0x82: {  	v43 =	vld [tilespmem:s24+$0x830];
	s11 =	sshra.s32 s11, $0x2;
	s3 =	sor.u32 s23, s3;
	s31 =	sand.u32 $0xFFFFFFE0, s5  }
0x83: {  	s23 =	sshll.u32 s26, $0x2;
	s13 =	spop (v2sf);
	s3 =	sshra.s32 s3, $0x2  }
0x84: {  	v3 =	vld [tilespmem:s25+$0x8B0];
	s11 =	sadd.s32 s7, s11;
	s26 =	sor.u32 s23, s31;
	s23 =	sand.u32 $0x7, s4  }
0x85: {  	s31 =	sshll.u32 s4, $0x2;
	s15 =	spop (v2sf);
	s5 =	sadd.s32 s7, s3  }
0x86: {  	v4 =	vld [tilespmem:s28+$0x930];
	s3 =	sshra.s32 s26, $0x2;
	s26 =	sand.u32 $0xFFFFFFE0, s31;
	s23 =	sshll.u32 s23, $0x2  }
0x87: {  	v1 =	vadd.f32 v43, v42;
	s31 =	sand.u32 $0x7, s8;
	s8 =	sshll.u32 s8, $0x2;
	s2 =	spop (v2sf)  }
0x88: {  	v44 =	vld [tilespmem:s29+$0x9B0];
	s4 =	sadd.s32 s7, s3;
	s3 =	sor.u32 s23, s26;
	s8 =	sand.u32 $0xFFFFFFE0, s8  }
0x89: {  	v1 =	vadd.f32 v3, v1;
	s23 =	sshll.u32 s31, $0x2;
	s0 =	spop (v2sf);
	s3 =	sshra.s32 s3, $0x2  }
0x8a: {  	v45 =	vld [tilespmem:s11+$0xA30];
	s8 =	sor.u32 s23, s8;
	s23 =	sand.u32 $0x7, s6;
	s6 =	sshll.u32 s6, $0x2  }
0x8b: {  	v1 =	vadd.f32 v4, v1;
	s1 =	spop (v2sf);
	s26 =	sshra.s32 s8, $0x2;
	s31 =	sand.u32 $0xFFFFFFE0, s6  }
0x8c: {  	v46 =	vld [tilespmem:s5+$0xAB0];
	s23 =	sshll.u32 s23, $0x2;
	s8 =	sadd.s32 s7, s3;
	s12 =	spop (v2sf)  }
0x8d: {  	v1 =	vadd.f32 v44, v1;
	s6 =	sadd.s32 s7, s26;
	s26 =	sor.u32 s23, s31;
	s23 =	sand.u32 $0x7, s9  }
0x8e: {  	v47 =	vld [tilespmem:s4+$0xB30];
	s31 =	sshll.u32 s9, $0x2;
	s30 =	spop (v2sf);
	s3 =	sshra.s32 s26, $0x2  }
0x8f: {  	s26 =	sand.u32 $0xFFFFFFE0, s31;
	s23 =	sshll.u32 s23, $0x2;
	s31 =	sand.u32 $0x7, s14;
	v1 =	vadd.f32 v45, v1  }
0x90: {  	(v2sf) =	vpush v41, $0x3;
	v48 =	vld [tilespmem:s8+$0xBB0];
	s14 =	sshll.u32 s14, $0x2;
	s9 =	sadd.s32 s7, s3;
	s3 =	sor.u32 s23, s26  }
0x91: {  	s14 =	sand.u32 $0xFFFFFFE0, s14;
	s23 =	sshll.u32 s31, $0x2;
	s3 =	sshra.s32 s3, $0x2;
	v49 =	vadd.f32 v46, v1  }
0x92: {  	v50 =	vld [tilespmem:s6+$0xC30];
	s14 =	sor.u32 s23, s14;
	s23 =	sand.u32 $0x7, s13;
	s13 =	sshll.u32 s13, $0x2  }
0x93: {  	s26 =	sshra.s32 s14, $0x2;
	s31 =	sand.u32 $0xFFFFFFE0, s13;
	s23 =	sshll.u32 s23, $0x2;
	v0 =	vadd.f32 v47, v49  }
0x94: {  	v51 =	vld [tilespmem:s9+$0xCB0];
	s14 =	sadd.s32 s7, s3;
	s13 =	sadd.s32 s7, s26;
	s26 =	sor.u32 s23, s31  }
0x95: {  	s31 =	sand.u32 $0x7, s15;
	s15 =	sshll.u32 s15, $0x2;
	s23 =	sand.u32 $0x7, s2;
	v0 =	vadd.f32 v48, v0  }
0x96: {  	v52 =	vld [tilespmem:s14+$0xD30];
	s2 =	sshll.u32 s2, $0x2;
	s3 =	sshra.s32 s26, $0x2;
	s15 =	sand.u32 $0xFFFFFFE0, s15  }
0x97: {  	s31 =	sshll.u32 s31, $0x2;
	s2 =	sand.u32 $0xFFFFFFE0, s2;
	s26 =	sadd.s32 s7, s3;
	v0 =	vadd.f32 v50, v0  }
0x98: {  	v53 =	vld [tilespmem:s13+$0xDB0];
	s3 =	sor.u32 s31, s15;
	s15 =	sshll.u32 s23, $0x2;
	s31 =	sand.u32 $0x7, s0  }
0x99: {  	s0 =	sshll.u32 s0, $0x2;
	s3 =	sshra.s32 s3, $0x2;
	s2 =	sor.u32 s15, s2;
	v0 =	vadd.f32 v51, v0  }
0x9a: {  	v54 =	vld [tilespmem:s26+$0xE30];
	s23 =	sand.u32 $0xFFFFFFE0, s0;
	s31 =	sshll.u32 s31, $0x2;
	s2 =	sshra.s32 s2, $0x2  }
0x9b: {  	s15 =	sadd.s32 s7, s3;
	s3 =	sor.u32 s31, s23;
	s23 =	sand.u32 $0x7, s1;
	v0 =	vadd.f32 v52, v0  }
0x9c: {  	s1 =	sshll.u32 s1, $0x2;
	s31 =	sand.u32 $0x7, s12;
	s12 =	sshll.u32 s12, $0x2;
	v55 =	vld [tilespmem:s15+$0xEB0]  }
0x9d: {  	s0 =	sadd.s32 s7, s2;
	s2 =	sshra.s32 s3, $0x2;
	s1 =	sand.u32 $0xFFFFFFE0, s1;
	v0 =	vadd.f32 v53, v0  }
0x9e: {  	s3 =	sshll.u32 s23, $0x2;
	s23 =	sand.u32 $0xFFFFFFE0, s12;
	s2 =	sadd.s32 s7, s2;
	v56 =	vld [tilespmem:s0+$0xF30]  }
0x9f: {  	s1 =	sor.u32 s3, s1;
	s3 =	sshll.u32 s31, $0x2;
	s31 =	spop (v2sf);
	v0 =	vadd.f32 v54, v0  }
0xa0: {  	s1 =	sshra.s32 s1, $0x2;
	v57 =	vld [tilespmem:s2+$0xFB0];
	s3 =	sor.u32 s3, s23;
	s23 =	sshll.u32 s30, $0x2  }
0xa1: {  	s12 =	sadd.s32 s7, s1;
	s1 =	sshra.s32 s3, $0x2;
	s3 =	sand.u32 $0x7, s30;
	v0 =	vadd.f32 v55, v0  }
0xa2: {  	s23 =	sand.u32 $0xFFFFFFE0, s23;
	v58 =	vld [tilespmem:s12+$0x1030];
	s30 =	sadd.s32 s7, s1;
	s3 =	sshll.u32 s3, $0x2  }
0xa3: {  	s1 =	sor.u32 s3, s23;
	s3 =	sand.u32 $0x7, s31;
	s31 =	sshll.u32 s31, $0x2;
	v0 =	vadd.f32 v56, v0  }
0xa4: {  	v59 =	vld [tilespmem:s30+$0x10B0];
	s1 =	sshra.s32 s1, $0x2;
	s23 =	sand.u32 $0xFFFFFFE0, s31;
	s3 =	sshll.u32 s3, $0x2  }
0xa5: {  	s1 =	sadd.s32 s7, s1;
	s3 =	sor.u32 s3, s23;
	v0 =	vadd.f32 v57, v0  }
0xa6: {  	v60 =	vld [tilespmem:s1+$0x1130];
	s3 =	sshra.s32 s3, $0x2  }
0xa7: {  	s7 =	sadd.s32 s7, s3;
	v0 =	vadd.f32 v58, v0  }
0xa8: {  	v61 =	vld [tilespmem:s7+$0x11B0]  }
0xa9: {  	v0 =	vadd.f32 v59, v0;
	_ =	sdelay $0x1  }
0xaa: {  	s23 =	sand.u32 $0x7, s10;
	s10 =	sshll.u32 s10, $0x2;
	v0 =	vadd.f32 v60, v0  }
0xab: {  	s10 =	sand.u32 $0xFFFFFFE0, s10;
	s3 =	sshll.u32 s23, $0x2  }
0xac: {  	s3 =	sor.u32 s3, s10;
	v0 =	vadd.f32 v61, v0  }
0xad: {  	s10 =	sadd.s32 s3, s20  }
0xae: {  	s10 =	sshra.s32 s10, $0x2;
	[tilespmem:s18+$0xFFFFFFE0] =	vst v0  }
0xaf: {  	v0 =	vld [tilespmem:s10+$0x15830];
	_ =	sdelay $0x1  }
0xb0: {  	s31 =	rddreg [dreg:$0x10]  }
0xb1: {  	s23 =	sshra.s32 s31, $0x2;
	s31 =	sshra.s32 s20, $0x2  }
0xb2: {  	s23 =	sadd.s32 s31, s23  }
0xb3: {  	s23 =	sadd.s32 $0x14830, s23;
	[tilespmem:s19+$0xFFFFFFE0] =	vst v0  }
0xb4: {  	v0 =	vld [tilespmem:s23+$0x10]  }
0xb5: {  	v62 =	vld [tilespmem:s24+$0x840];
	_ =	sdelay $0x1  }
0xb6: {  	v63 =	vld [tilespmem:s25+$0x8C0];
	_ =	sdelay $0x1  }
0xb7: {  	v6 =	vld [tilespmem:s28+$0x940]  }
0xb8: {  	v0 =	vadd.f32 v62, v0  }
0xb9: {  	v7 =	vld [tilespmem:s29+$0x9C0]  }
0xba: {  	v0 =	vadd.f32 v63, v0  }
0xbb: {  	v8 =	vld [tilespmem:s11+$0xA40]  }
0xbc: {  	v0 =	vadd.f32 v6, v0  }
0xbd: {  	v9 =	vld [tilespmem:s5+$0xAC0]  }
0xbe: {  	v0 =	vadd.f32 v7, v0  }
0xbf: {  	v10 =	vld [tilespmem:s4+$0xB40]  }
0xc0: {  	v0 =	vadd.f32 v8, v0  }
0xc1: {  	v11 =	vld [tilespmem:s8+$0xBC0]  }
0xc2: {  	v0 =	vadd.f32 v9, v0  }
0xc3: {  	v12 =	vld [tilespmem:s6+$0xC40]  }
0xc4: {  	v0 =	vadd.f32 v10, v0  }
0xc5: {  	v13 =	vld [tilespmem:s9+$0xCC0]  }
0xc6: {  	v0 =	vadd.f32 v11, v0  }
0xc7: {  	v14 =	vld [tilespmem:s14+$0xD40]  }
0xc8: {  	v0 =	vadd.f32 v12, v0  }
0xc9: {  	v15 =	vld [tilespmem:s13+$0xDC0]  }
0xca: {  	v0 =	vadd.f32 v13, v0  }
0xcb: {  	v16 =	vld [tilespmem:s26+$0xE40]  }
0xcc: {  	v0 =	vadd.f32 v14, v0  }
0xcd: {  	v17 =	vld [tilespmem:s15+$0xEC0]  }
0xce: {  	v0 =	vadd.f32 v15, v0  }
0xcf: {  	v18 =	vld [tilespmem:s0+$0xF40]  }
0xd0: {  	v0 =	vadd.f32 v16, v0  }
0xd1: {  	v19 =	vld [tilespmem:s2+$0xFC0]  }
0xd2: {  	v0 =	vadd.f32 v17, v0  }
0xd3: {  	v20 =	vld [tilespmem:s12+$0x1040]  }
0xd4: {  	v0 =	vadd.f32 v18, v0  }
0xd5: {  	v21 =	vld [tilespmem:s30+$0x10C0]  }
0xd6: {  	v0 =	vadd.f32 v19, v0  }
0xd7: {  	v22 =	vld [tilespmem:s1+$0x1140]  }
0xd8: {  	v0 =	vadd.f32 v20, v0  }
0xd9: {  	v23 =	vld [tilespmem:s7+$0x11C0]  }
0xda: {  	v0 =	vadd.f32 v21, v0;
	_ =	sdelay $0x1  }
0xdb: {  	v0 =	vadd.f32 v22, v0;
	_ =	sdelay $0x1  }
0xdc: {  	s3 =	sshra.s32 s3, $0x2;
	v0 =	vadd.f32 v23, v0  }
0xdd: {  	s3 =	sadd.s32 s31, s3  }
0xde: {  	s3 =	sadd.s32 $0x15830, s3;
	[tilespmem:s18+$0xFFFFFFF0] =	vst v0  }
0xdf: {  	v0 =	vld [tilespmem:s3+$0x10];
	_ =	sdelay $0x4  }
0xe0: {  	[tilespmem:s19+$0xFFFFFFF0] =	vst v0  }
0xe1: {  	v0 =	vld [tilespmem:s23+$0x20]  }
0xe2: {  	v24 =	vld [tilespmem:s24+$0x850];
	_ =	sdelay $0x1  }
0xe3: {  	v25 =	vld [tilespmem:s25+$0x8D0];
	_ =	sdelay $0x1  }
0xe4: {  	v26 =	vld [tilespmem:s28+$0x950]  }
0xe5: {  	v0 =	vadd.f32 v24, v0  }
0xe6: {  	v27 =	vld [tilespmem:s29+$0x9D0]  }
0xe7: {  	v0 =	vadd.f32 v25, v0  }
0xe8: {  	v28 =	vld [tilespmem:s11+$0xA50]  }
0xe9: {  	v0 =	vadd.f32 v26, v0  }
0xea: {  	v29 =	vld [tilespmem:s5+$0xAD0]  }
0xeb: {  	v0 =	vadd.f32 v27, v0  }
0xec: {  	v30 =	vld [tilespmem:s4+$0xB50]  }
0xed: {  	v0 =	vadd.f32 v28, v0  }
0xee: {  	v31 =	vld [tilespmem:s8+$0xBD0]  }
0xef: {  	v0 =	vadd.f32 v29, v0  }
0xf0: {  	v32 =	vld [tilespmem:s6+$0xC50]  }
0xf1: {  	v0 =	vadd.f32 v30, v0  }
0xf2: {  	v33 =	vld [tilespmem:s9+$0xCD0]  }
0xf3: {  	v0 =	vadd.f32 v31, v0  }
0xf4: {  	v34 =	vld [tilespmem:s14+$0xD50]  }
0xf5: {  	v0 =	vadd.f32 v32, v0  }
0xf6: {  	v35 =	vld [tilespmem:s13+$0xDD0]  }
0xf7: {  	v0 =	vadd.f32 v33, v0  }
0xf8: {  	v36 =	vld [tilespmem:s26+$0xE50]  }
0xf9: {  	v0 =	vadd.f32 v34, v0  }
0xfa: {  	v37 =	vld [tilespmem:s15+$0xED0]  }
0xfb: {  	v0 =	vadd.f32 v35, v0  }
0xfc: {  	v38 =	vld [tilespmem:s0+$0xF50]  }
0xfd: {  	v0 =	vadd.f32 v36, v0  }
0xfe: {  	v39 =	vld [tilespmem:s2+$0xFD0]  }
0xff: {  	v0 =	vadd.f32 v37, v0  }
0x100: {  	v40 =	vld [tilespmem:s12+$0x1050]  }
0x101: {  	v0 =	vadd.f32 v38, v0  }
0x102: {  	v41 =	vld [tilespmem:s30+$0x10D0]  }
0x103: {  	v0 =	vadd.f32 v39, v0  }
0x104: {  	v42 =	vld [tilespmem:s1+$0x1150]  }
0x105: {  	v0 =	vadd.f32 v40, v0  }
0x106: {  	v43 =	vld [tilespmem:s7+$0x11D0]  }
0x107: {  	v0 =	vadd.f32 v41, v0;
	_ =	sdelay $0x1  }
0x108: {  	v0 =	vadd.f32 v42, v0;
	_ =	sdelay $0x1  }
0x109: {  	v0 =	vadd.f32 v43, v0;
	_ =	sdelay $0x1  }
0x10a: {  	[tilespmem:s18+$0x0] =	vst v0  }
0x10b: {  	v0 =	vld [tilespmem:s3+$0x20];
	_ =	sdelay $0x4  }
0x10c: {  	[tilespmem:s19+$0x0] =	vst v0  }
0x10d: {  	v0 =	vld [tilespmem:s16+$0x14860]  }
0x10e: {  	v44 =	vld [tilespmem:s24+$0x860];
	_ =	sdelay $0x1  }
0x10f: {  	v45 =	vld [tilespmem:s25+$0x8E0];
	_ =	sdelay $0x1  }
0x110: {  	v46 =	vld [tilespmem:s28+$0x960]  }
0x111: {  	v0 =	vadd.f32 v44, v0  }
0x112: {  	v47 =	vld [tilespmem:s29+$0x9E0]  }
0x113: {  	v0 =	vadd.f32 v45, v0  }
0x114: {  	v48 =	vld [tilespmem:s11+$0xA60]  }
0x115: {  	v0 =	vadd.f32 v46, v0  }
0x116: {  	v49 =	vld [tilespmem:s5+$0xAE0]  }
0x117: {  	v0 =	vadd.f32 v47, v0  }
0x118: {  	v50 =	vld [tilespmem:s4+$0xB60]  }
0x119: {  	v0 =	vadd.f32 v48, v0  }
0x11a: {  	v51 =	vld [tilespmem:s8+$0xBE0]  }
0x11b: {  	v0 =	vadd.f32 v49, v0  }
0x11c: {  	v52 =	vld [tilespmem:s6+$0xC60]  }
0x11d: {  	v0 =	vadd.f32 v50, v0  }
0x11e: {  	v53 =	vld [tilespmem:s9+$0xCE0]  }
0x11f: {  	v0 =	vadd.f32 v51, v0  }
0x120: {  	v54 =	vld [tilespmem:s14+$0xD60]  }
0x121: {  	v0 =	vadd.f32 v52, v0  }
0x122: {  	v55 =	vld [tilespmem:s13+$0xDE0]  }
0x123: {  	v0 =	vadd.f32 v53, v0  }
0x124: {  	v56 =	vld [tilespmem:s26+$0xE60]  }
0x125: {  	v0 =	vadd.f32 v54, v0  }
0x126: {  	v57 =	vld [tilespmem:s15+$0xEE0]  }
0x127: {  	v0 =	vadd.f32 v55, v0  }
0x128: {  	v58 =	vld [tilespmem:s0+$0xF60]  }
0x129: {  	v0 =	vadd.f32 v56, v0  }
0x12a: {  	v59 =	vld [tilespmem:s2+$0xFE0]  }
0x12b: {  	v0 =	vadd.f32 v57, v0  }
0x12c: {  	v60 =	vld [tilespmem:s12+$0x1060]  }
0x12d: {  	v0 =	vadd.f32 v58, v0  }
0x12e: {  	v61 =	vld [tilespmem:s30+$0x10E0]  }
0x12f: {  	v0 =	vadd.f32 v59, v0  }
0x130: {  	v62 =	vld [tilespmem:s1+$0x1160]  }
0x131: {  	v0 =	vadd.f32 v60, v0  }
0x132: {  	v63 =	vld [tilespmem:s7+$0x11E0]  }
0x133: {  	v0 =	vadd.f32 v61, v0;
	_ =	sdelay $0x1  }
0x134: {  	v0 =	vadd.f32 v62, v0;
	_ =	sdelay $0x1  }
0x135: {  	v0 =	vadd.f32 v63, v0;
	_ =	sdelay $0x1  }
0x136: {  	[tilespmem:s18+$0x10] =	vst v0  }
0x137: {  	p0 =	sne.s32 s22, $0x4D800;
	v0 =	vld [tilespmem:s10+$0x15860]  }
.Ltmp1:
0x138: {  	_ = 	snop;
	(pc) =	sbr.rel @p0 .LBB2_5-.Ltmp1, $4  }
0x139: {  	s17 =	sadd.s32 $0x14, s17  }
0x13a: {  	s21 =	sadd.s32 $0x14, s21;
	s22 =	sadd.s32 $0x2800, s22;
	s31 =	rddreg [dreg:$0xf]  }
0x13b: {  	s20 =	sadd.s32 $0x200, s20;
	s29 =	rddreg [dreg:$0xe];
	s1 =	sadd.s32 $0x1, s31  }
0x13c: {  	s0 =	sadd.s32 $0x1, s29;
	s18 =	sadd.s32 $0x40, s18;
	[tilespmem:s19+$0x10] =	vst v0;
	s19 =	sadd.s32 $0x40, s19  }
0x13d: {  	s0 =	rddreg [dreg:$0xd]  }
0x13e: {  	s1 =	rddreg [dreg:$0x7];
	s0 =	sshll.u32 s0, $0x3  }
0x13f: {  	s2 =	simm.s32 $0x0;
	s3 =	simm.s32 $0x16830;
	s1 =	sadd.s32 s1, s0  }
0x140: {  	[hbm4b:s1+s2] =	stream.linear.scatter [tilespmem:s3], [sflag:$0x4], $0x800, $0x38;
	[tilespmem:$0x17830] =	vst v63  }
0x141: {  	s3 =	simm.s32 $0x4  }
0x142: {  	_ =	swait.ge [sflag:s3], $0x800  }
0x143: {  	[sflag:s3] =	ssyncset.done $0x0;
	s29 =	rddreg [dreg:$0x8]  }
0x144: {  	s30 =	simm.s32 $0x17030;
	[sflag:s3] =	ssyncadd.s32 $0xFFFFF800;
	s0 =	sadd.s32 s29, s0  }
0x145: {  	[hbm4b:s0+s2] =	stream.linear.scatter [tilespmem:s30], [sflag:$0x4], $0x800, $0x38;
	[tilespmem:$0x17830] =	vst v63  }
0x146: {  	_ =	swait.ge [sflag:s3], $0x800  }
0x147: {  	s31 =	rddreg [dreg:$0xc]  }
0x148: {  	s0 =	sadd.s32 $0x1, s31  }
0x149: {  	p0 =	sne.s32 s0, $0x4  }
.Ltmp2:
0x14a: {  	_ = 	snop;
	(pc) =	sbr.rel @p0 .LBB2_2-.Ltmp2, $3  }
0x14b: {  	_ =	sdelay $0x1  }
0x14c: {  	[sflag:s3] =	ssyncset.done $0x0  }
0x14d: {  	s4 =	simm.s32 $0x790;
	s5 =	simm.s32 $0x7E0;
	[sflag:s3] =	ssyncadd.s32 $0xFFFFF800  }
0x14e: {  	s1 =	rddreg [dreg:$0xb]  }
0x14f: {  	s0 =	rddreg [dreg:$0xa];
	s1 =	sadd.s32 $0x1, s1  }
0x150: {  	p0 =	sne.s32 s1, s0  }
.Ltmp3:
0x151: {  	_ = 	snop;
	(pc) =	sbr.rel @p0 .LBB2_1-.Ltmp3, $1  }
0x152: {  	_ =	sdelay $0x3  }
0x153: {  	_ =	sfence.sel $0x180000  }
0x154: {  	[bflag:$0x0] =	sbarrier.arrive $0xFFFF  }
0x155: {  	_ =	strace $0x90000047  }
0x156: {  	s0 =	stileid.u32;
	[bflag:$0x2] =	sbarrier.arrive $0xFFFF  }
0x157: {  	p0 =	sne.s32 s0, $0x0;
	s0 =	rddreg [dreg:$0x4]  }
0x158: {  	s0 =	sadd.s32 @!p0 $0x100000, s0  }
0x159: {  	[sflag:s0] =	ssyncadd.tile.s32 @!p0 $0x1;
	_ =	shalt  }
.Lfunc_end2:
_tile_overlayer_lowered:
.L_overlay_start_2:
0x15a: {  	(tag) =	ssettag $0x2  }
0x15b: {  	s0 =	rddreg [dreg:$0x0];
	s2 =	stileid.u32  }
0x15c: {  	s1 =	rddreg [dreg:$0x1];
	p0 =	sne.s32 s2, $0x0  }
0x15d: {  	s3 =	rddreg [dreg:$0x2];
	[bflag:$0x3] =	sbarrier.arrive $0xFFFF;
	s2 =	simm.s32 @!p0 $0x1C04  }
0x15e: {  	[timem:s3], [sflag:s2] =	dma.local @!p0 [hbm:s0], s1  }
0x15f: {  	s0 =	simm.s32 @!p0 $0x4  }
0x160: {  	_ =	swait.ge @!p0 [sflag:s0], s1  }
0x161: {  	s1 =	ssub.s32 @!p0 $0x0, s1;
	[sflag:s0] =	ssyncset.done @!p0 $0x0  }
0x162: {  	[sflag:s0] =	ssyncadd.s32 @!p0 s1  }
0x163: {  	[bflag:$0x3] =	sbarrier.arrive $0xFFFF  }
0x164: {  	_ =	shalt  }

</sc_bundles>
